<compile_context>
chip_gen: v7x
topology: tpu7x:2x2x1
jax: 0.10.2.dev20260603
libtpu: 0.0.44.dev20260713+nightly
codegen_flags: <defaults>
</compile_context>

<pallas_src>
import functools

import jax
import jax.numpy as jnp
from jax import lax
from jax.experimental import pallas as pl
from jax.experimental.pallas import tpu as pltpu
from jax.experimental.pallas import tpu_sc as plsc

X_MIN = -100.0
X_MAX = 100.0
N_TAB = 50000
INV_STEP = 1.0 / ((X_MAX - X_MIN) / (N_TAB - 1))

NUM_WORKERS = 32
LANES = 16
BLK_R = 8
BLK_C = 512
CHUNK = BLK_R * BLK_C


def _compute_chunk(x_ref, o_ref, yt_ref, sl_ref):

    @plsc.parallel_loop(0, CHUNK, step=LANES, unroll=8)
    def vbody(off):
        r = off >> 9
        c = off & (BLK_C - 1)
        xv = x_ref[r, pl.ds(c, LANES)]
        idx_f = (xv - X_MIN) * INV_STEP
        idx_f = jnp.minimum(jnp.maximum(idx_f, 0.0), float(N_TAB - 1))
        idx = idx_f.astype(jnp.int32)
        frac = idx_f - idx.astype(jnp.float32)
        yv = plsc.load_gather(yt_ref, [idx])
        mv = plsc.load_gather(sl_ref, [idx])
        res = yv + frac * mv
        res = jnp.where(xv > X_MAX, xv, res)
        o_ref[r, pl.ds(c, LANES)] = res


def _gelu_sc(x, y_table, slope):
    slab, rows, cols = x.shape
    band = rows * slab // NUM_WORKERS
    row_blocks = band // BLK_R
    col_blocks = cols // BLK_C
    n_chunks = row_blocks * col_blocks
    n_pairs = n_chunks // 2
    mesh = plsc.VectorSubcoreMesh(core_axis_name="c", subcore_axis_name="s")

    @functools.partial(
        pl.kernel,
        mesh=mesh,
        compiler_params=pltpu.CompilerParams(needs_layout_passes=False,
                                             use_tc_tiling_on_sc=True),
        out_type=jax.ShapeDtypeStruct((slab, rows, cols), jnp.float32),
        scratch_types=[
            pltpu.VMEM((N_TAB,), jnp.float32),
            pltpu.VMEM((N_TAB,), jnp.float32),
            pltpu.VMEM((BLK_R, BLK_C), jnp.float32),
            pltpu.VMEM((BLK_R, BLK_C), jnp.float32),
            pltpu.VMEM((BLK_R, BLK_C), jnp.float32),
            pltpu.VMEM((BLK_R, BLK_C), jnp.float32),
            pltpu.SemaphoreType.DMA,
            pltpu.SemaphoreType.DMA,
            pltpu.SemaphoreType.DMA,
            pltpu.SemaphoreType.DMA,
            pltpu.SemaphoreType.DMA,
        ],
    )
    def k(x_hbm, yt_hbm, sl_hbm, out_hbm, yt_v, sl_v, xin0_v, xin1_v,
          out0_v, out1_v, sem_in0, sem_in1, sem_out0, sem_out1, sem_tab):
        wid = lax.axis_index("s") * 2 + lax.axis_index("c")
        d = wid // (NUM_WORKERS // slab)
        row0 = (wid % (NUM_WORKERS // slab)) * band
        xin = (xin0_v, xin1_v)
        outb = (out0_v, out1_v)
        sems_in = (sem_in0, sem_in1)
        sems_out = (sem_out0, sem_out1)

        def src(g):
            a = g // col_blocks
            b_ = g % col_blocks
            return (d, pl.ds(row0 + BLK_R * a, BLK_R),
                    pl.ds(BLK_C * b_, BLK_C))

        t1 = pltpu.async_copy(yt_hbm, yt_v, sem_tab)
        t2 = pltpu.async_copy(sl_hbm, sl_v, sem_tab)
        pltpu.async_copy(x_hbm.at[src(0)], xin[0], sems_in[0])
        pltpu.async_copy(x_hbm.at[src(1)], xin[1], sems_in[1])
        t1.wait()
        t2.wait()

        def wait_in(b):
            pltpu.make_async_copy(x_hbm.at[src(0)], xin[b],
                                  sems_in[b]).wait()

        def wait_out(b):
            pltpu.make_async_copy(outb[b], out_hbm.at[src(0)],
                                  sems_out[b]).wait()

        def pair_body(p, carry):
            for b in range(2):
                g = 2 * p + b
                wait_in(b)

                @pl.when(p >= 1)
                def _():
                    wait_out(b)

                _compute_chunk(xin[b], outb[b], yt_v, sl_v)
                pltpu.async_copy(outb[b], out_hbm.at[src(g)], sems_out[b])

                @pl.when(p < n_pairs - 1)
                def _():
                    pltpu.async_copy(x_hbm.at[src(g + 2)], xin[b],
                                     sems_in[b])
            return carry

        lax.fori_loop(0, n_pairs, pair_body, 0)
        wait_out(0)
        wait_out(1)

    return k(x, y_table, slope)


def kernel(x, y_table, slope):
    return _gelu_sc(x, y_table, slope)

# --- scband reference (transcript-rebuilt; emitter-appended) ---
"""Pipeline reference for scband-cached-gelu-8847632630418 (READ-ONLY COPY).

The authoritative reference and input builder live on the scoring server;
editing this copy changes nothing except your own understanding.
"""

import jax, jax.numpy as jnp
import numpy as np

X_MIN = -100.0
X_MAX = 100.0
N = 50000


def _build_tables():
    x_table = jnp.linspace(X_MIN, X_MAX, N, dtype=jnp.float32)
    y_table = 0.5 * x_table * (1.0 + jax.scipy.special.erf(x_table / jnp.sqrt(jnp.float32(2.0))))
    slope = jnp.diff(y_table, append=y_table[-1:])
    return y_table, slope


def setup_inputs(seed: int = 0) -> dict:
    key = jax.random.key(seed)
    x = jax.random.normal(key, (2, 4096, 4096), dtype=jnp.float32)
    y_table, slope = _build_tables()
    return {"x": x, "y_table": y_table, "slope": slope}


def reference(x, y_table, slope):
    step = (X_MAX - X_MIN) / (N - 1)
    inv_step = 1.0 / step
    x_clamped = jnp.clip(x, X_MIN, X_MAX)
    idx_f = (x_clamped - X_MIN) * inv_step
    idx = jnp.clip(idx_f.astype(jnp.int32), 0, N - 1)
    frac = idx_f - idx.astype(jnp.float32)
    y_val = jnp.take(y_table, idx)
    m_val = jnp.take(slope, idx)
    approx = y_val + frac * m_val
    gelu_exact = 0.5 * x * (1.0 + jax.scipy.special.erf(x / jnp.sqrt(jnp.float32(2.0))))
    return jnp.where((x < X_MIN) | (x > X_MAX), gelu_exact, approx)

if __name__ == "__main__":
    import jax
    _d = setup_inputs()
    print(jax.jit(kernel)(*tuple(_d.values())))

</pallas_src>

<mosaic_0001>
#map = affine_map<(d0, d1) -> (0, 0, 0)>
#map1 = affine_map<(d0, d1) -> (0)>
module attributes {stable_mosaic.version = 14 : i64} {
  func.func @k(%arg0: i32, %arg1: i32, %arg2: memref<2x4096x4096xf32, #tpu.memory_space<hbm>>, %arg3: memref<50000xf32, #tpu.memory_space<hbm>>, %arg4: memref<50000xf32, #tpu.memory_space<hbm>>, %arg5: memref<2x4096x4096xf32, #tpu.memory_space<hbm>>, %arg6: memref<50000xf32, #tpu.memory_space<vmem>>, %arg7: memref<50000xf32, #tpu.memory_space<vmem>>, %arg8: memref<8x512xf32, #tpu.memory_space<vmem>>, %arg9: memref<8x512xf32, #tpu.memory_space<vmem>>, %arg10: memref<8x512xf32, #tpu.memory_space<vmem>>, %arg11: memref<8x512xf32, #tpu.memory_space<vmem>>, %arg12: memref<!tpu.dma_semaphore, #tpu.memory_space<semaphore_mem>>, %arg13: memref<!tpu.dma_semaphore, #tpu.memory_space<semaphore_mem>>, %arg14: memref<!tpu.dma_semaphore, #tpu.memory_space<semaphore_mem>>, %arg15: memref<!tpu.dma_semaphore, #tpu.memory_space<semaphore_mem>>, %arg16: memref<!tpu.dma_semaphore, #tpu.memory_space<semaphore_mem>>) attributes {dimension_semantics = [#tpu.dimension_semantics<core_parallel>, #tpu.dimension_semantics<subcore_parallel>], iteration_bounds = array<i64: 2, 16>, scalar_prefetch = 0 : i64, scratch_operands = 11 : i64, tpu.core_type = #tpu.core_type<sc_vector_subcore>, window_params = [{transform_indices = #map}, {transform_indices = #map1}, {transform_indices = #map1}, {transform_indices = #map}]} {
    %mul3A = arith.constant 2 : i32
    %mul3A_0 = arith.muli %arg1, %mul3A : i32
    %add3A = arith.addi %mul3A_0, %arg0 : i32
    %jit3A = arith.constant 16 : i32
    %div3A = arith.divsi %add3A, %jit3A : i32
    %sign3A = arith.constant 0 : i32
    %sign3A_1 = arith.cmpi sgt, %add3A, %sign3A : i32
    %sign3A_2 = arith.extui %sign3A_1 : i1 to i32
    %sign3A_3 = arith.constant 0 : i32
    %sign3A_4 = arith.cmpi slt, %add3A, %sign3A_3 : i32
    %sign3A_5 = arith.extui %sign3A_4 : i1 to i32
    %sign3A_6 = arith.subi %sign3A_2, %sign3A_5 : i32
    %sign3A_7 = arith.constant 0 : i32
    %sign3A_8 = arith.cmpi sgt, %jit3A, %sign3A_7 : i32
    %sign3A_9 = arith.extui %sign3A_8 : i1 to i32
    %sign3A_10 = arith.constant 0 : i32
    %sign3A_11 = arith.cmpi slt, %jit3A, %sign3A_10 : i32
    %sign3A_12 = arith.extui %sign3A_11 : i1 to i32
    %sign3A_13 = arith.subi %sign3A_9, %sign3A_12 : i32
    %ne3A = arith.cmpi ne, %sign3A_6, %sign3A_13 : i32
    %rem3A = arith.remsi %add3A, %jit3A : i32
    %ne3A_14 = arith.constant 0 : i32
    %ne3A_15 = arith.cmpi ne, %rem3A, %ne3A_14 : i32
    %and3A = arith.andi %ne3A, %ne3A_15 : i1
    %sub3A = arith.constant 1 : i32
    %sub3A_16 = arith.subi %div3A, %sub3A : i32
    %select_n3A = arith.select %and3A, %sub3A_16, %div3A : i32
    %jit3A_17 = arith.constant 16 : i32
    %eq3A = arith.constant 0 : i32
    %eq3A_18 = arith.cmpi eq, %jit3A_17, %eq3A : i32
    %jit3A_19 = arith.constant 1 : i32
    %select_n3A_20 = arith.select %eq3A_18, %jit3A_19, %jit3A_17 : i32
    %rem3A_21 = arith.remsi %add3A, %select_n3A_20 : i32
    %ne3A_22 = arith.constant 0 : i32
    %ne3A_23 = arith.cmpi ne, %rem3A_21, %ne3A_22 : i32
    %lt3A = arith.constant 0 : i32
    %lt3A_24 = arith.cmpi slt, %rem3A_21, %lt3A : i32
    %lt3A_25 = arith.constant 0 : i32
    %lt3A_26 = arith.cmpi slt, %select_n3A_20, %lt3A_25 : i32
    %ne3A_27 = arith.xori %lt3A_24, %lt3A_26 : i1
    %and3A_28 = arith.andi %ne3A_27, %ne3A_23 : i1
    %add3A_29 = arith.addi %rem3A_21, %select_n3A_20 : i32
    %select_n3A_30 = arith.select %and3A_28, %add3A_29, %rem3A_21 : i32
    %mul3A_31 = arith.constant 256 : i32
    %mul3A_32 = arith.muli %select_n3A_30, %mul3A_31 : i32
    tpu.enqueue_dma source(%arg3 : memref<50000xf32, #tpu.memory_space<hbm>>) target(%arg6 : memref<50000xf32, #tpu.memory_space<vmem>>) target_semaphore(%arg16 : memref<!tpu.dma_semaphore, #tpu.memory_space<semaphore_mem>>)
    tpu.enqueue_dma source(%arg4 : memref<50000xf32, #tpu.memory_space<hbm>>) target(%arg7 : memref<50000xf32, #tpu.memory_space<vmem>>) target_semaphore(%arg16 : memref<!tpu.dma_semaphore, #tpu.memory_space<semaphore_mem>>)
    %add3A_33 = arith.constant 0 : i32
    %add3A_34 = arith.addi %mul3A_32, %add3A_33 : i32
    %dma_start3A = arith.constant 0 : i32
    %dma_start3A_35 = tpu.memref_slice %arg2[%select_n3A, %add3A_34, %dma_start3A] : memref<2x4096x4096xf32, #tpu.memory_space<hbm>> -> memref<1x8x512xf32, #tpu.memory_space<hbm>>
    %dma_start3A_36 = tpu.memref_squeeze %dma_start3A_35 : memref<1x8x512xf32, #tpu.memory_space<hbm>> -> memref<8x512xf32, #tpu.memory_space<hbm>>
    %dma_start3A_37 = arith.constant 0 : i32
    %dma_start3A_38 = tpu.memref_slice %arg2[%select_n3A, %add3A_34, %dma_start3A_37] : memref<2x4096x4096xf32, #tpu.memory_space<hbm>> -> memref<1x8x512xf32, #tpu.memory_space<hbm>>
    %dma_start3A_39 = tpu.memref_squeeze %dma_start3A_38 : memref<1x8x512xf32, #tpu.memory_space<hbm>> -> memref<8x512xf32, #tpu.memory_space<hbm>>
    tpu.enqueue_dma source(%dma_start3A_39 : memref<8x512xf32, #tpu.memory_space<hbm>>) target(%arg8 : memref<8x512xf32, #tpu.memory_space<vmem>>) target_semaphore(%arg12 : memref<!tpu.dma_semaphore, #tpu.memory_space<semaphore_mem>>)
    %add3A_40 = arith.constant 0 : i32
    %add3A_41 = arith.addi %mul3A_32, %add3A_40 : i32
    %dma_start3A_42 = arith.constant 512 : i32
    %dma_start3A_43 = tpu.memref_slice %arg2[%select_n3A, %add3A_41, %dma_start3A_42] : memref<2x4096x4096xf32, #tpu.memory_space<hbm>> -> memref<1x8x512xf32, #tpu.memory_space<hbm>>
    %dma_start3A_44 = tpu.memref_squeeze %dma_start3A_43 : memref<1x8x512xf32, #tpu.memory_space<hbm>> -> memref<8x512xf32, #tpu.memory_space<hbm>>
    %dma_start3A_45 = arith.constant 512 : i32
    %dma_start3A_46 = tpu.memref_slice %arg2[%select_n3A, %add3A_41, %dma_start3A_45] : memref<2x4096x4096xf32, #tpu.memory_space<hbm>> -> memref<1x8x512xf32, #tpu.memory_space<hbm>>
    %dma_start3A_47 = tpu.memref_squeeze %dma_start3A_46 : memref<1x8x512xf32, #tpu.memory_space<hbm>> -> memref<8x512xf32, #tpu.memory_space<hbm>>
    tpu.enqueue_dma source(%dma_start3A_47 : memref<8x512xf32, #tpu.memory_space<hbm>>) target(%arg9 : memref<8x512xf32, #tpu.memory_space<vmem>>) target_semaphore(%arg13 : memref<!tpu.dma_semaphore, #tpu.memory_space<semaphore_mem>>)
    tpu.wait_dma2 semaphore(%arg16 : memref<!tpu.dma_semaphore, #tpu.memory_space<semaphore_mem>>) src(%arg3 : memref<50000xf32, #tpu.memory_space<hbm>>) dst(%arg6 : memref<50000xf32, #tpu.memory_space<vmem>>)
    tpu.wait_dma2 semaphore(%arg16 : memref<!tpu.dma_semaphore, #tpu.memory_space<semaphore_mem>>) src(%arg4 : memref<50000xf32, #tpu.memory_space<hbm>>) dst(%arg7 : memref<50000xf32, #tpu.memory_space<vmem>>)
    %scan3A = arith.constant 0 : i32
    %scan3A_48 = arith.constant 0 : i32
    %scan3A_49 = arith.constant 128 : i32
    %scan3A_50 = arith.addi %scan3A_48, %scan3A_49 : i32
    %scan3A_51 = arith.constant 1 : i32
    scf.for %scan3A_68 = %scan3A_48 to %scan3A_50 step %scan3A_51  : i32 {
      %mul3A_69 = arith.constant 2 : i32
      %mul3A_70 = arith.muli %mul3A_69, %scan3A_68 : i32
      %add3A_71 = arith.constant 0 : i32
      %add3A_72 = arith.addi %mul3A_70, %add3A_71 : i32
      %add3A_73 = arith.constant 0 : i32
      %add3A_74 = arith.addi %mul3A_32, %add3A_73 : i32
      %dma_wait3A_75 = arith.constant 0 : i32
      %dma_wait3A_76 = tpu.memref_slice %arg2[%select_n3A, %add3A_74, %dma_wait3A_75] : memref<2x4096x4096xf32, #tpu.memory_space<hbm>> -> memref<1x8x512xf32, #tpu.memory_space<hbm>>
      %dma_wait3A_77 = tpu.memref_squeeze %dma_wait3A_76 : memref<1x8x512xf32, #tpu.memory_space<hbm>> -> memref<8x512xf32, #tpu.memory_space<hbm>>
      %dma_wait3A_78 = arith.constant 0 : i32
      %dma_wait3A_79 = tpu.memref_slice %arg2[%select_n3A, %add3A_74, %dma_wait3A_78] : memref<2x4096x4096xf32, #tpu.memory_space<hbm>> -> memref<1x8x512xf32, #tpu.memory_space<hbm>>
      %dma_wait3A_80 = tpu.memref_squeeze %dma_wait3A_79 : memref<1x8x512xf32, #tpu.memory_space<hbm>> -> memref<8x512xf32, #tpu.memory_space<hbm>>
      tpu.wait_dma2 semaphore(%arg12 : memref<!tpu.dma_semaphore, #tpu.memory_space<semaphore_mem>>) src(%dma_wait3A_80 : memref<8x512xf32, #tpu.memory_space<hbm>>) dst(%arg8 : memref<8x512xf32, #tpu.memory_space<vmem>>)
      %ge3A = arith.constant 1 : i32
      %ge3A_81 = arith.cmpi sge, %scan3A_68, %ge3A : i32
      %convert_element_type3A = arith.extui %ge3A_81 : i1 to i32
      %cond3A = arith.constant 0 : i32
      %cond3A_82 = arith.cmpi ne, %convert_element_type3A, %cond3A : i32
      scf.if %cond3A_82 {
        %add3A_213 = arith.constant 0 : i32
        %add3A_214 = arith.addi %mul3A_32, %add3A_213 : i32
        %dma_wait3A_215 = arith.constant 0 : i32
        %dma_wait3A_216 = tpu.memref_slice %arg5[%select_n3A, %add3A_214, %dma_wait3A_215] : memref<2x4096x4096xf32, #tpu.memory_space<hbm>> -> memref<1x8x512xf32, #tpu.memory_space<hbm>>
        %dma_wait3A_217 = tpu.memref_squeeze %dma_wait3A_216 : memref<1x8x512xf32, #tpu.memory_space<hbm>> -> memref<8x512xf32, #tpu.memory_space<hbm>>
        %dma_wait3A_218 = arith.constant 0 : i32
        %dma_wait3A_219 = tpu.memref_slice %arg5[%select_n3A, %add3A_214, %dma_wait3A_218] : memref<2x4096x4096xf32, #tpu.memory_space<hbm>> -> memref<1x8x512xf32, #tpu.memory_space<hbm>>
        %dma_wait3A_220 = tpu.memref_squeeze %dma_wait3A_219 : memref<1x8x512xf32, #tpu.memory_space<hbm>> -> memref<8x512xf32, #tpu.memory_space<hbm>>
        tpu.wait_dma2 semaphore(%arg14 : memref<!tpu.dma_semaphore, #tpu.memory_space<semaphore_mem>>) src(%arg10 : memref<8x512xf32, #tpu.memory_space<vmem>>) dst(%dma_wait3A_220 : memref<8x512xf32, #tpu.memory_space<hbm>>)
      } else {
      }
      %parallel_loop3A = arith.constant 0 : i32
      %parallel_loop3A_83 = arith.constant 4096 : i32
      %parallel_loop3A_84 = arith.constant 16 : i32
      scf.for %parallel_loop3A_213 = %parallel_loop3A to %parallel_loop3A_83 step %parallel_loop3A_84  : i32 {
        %parallel_loop3A_214 = arith.constant 9 : i32
        %parallel_loop3A_215 = arith.shrsi %parallel_loop3A_213, %parallel_loop3A_214 : i32
        %parallel_loop3A_216 = arith.constant 511 : i32
        %parallel_loop3A_217 = arith.andi %parallel_loop3A_213, %parallel_loop3A_216 : i32
        %parallel_loop3A_218 = arith.index_cast %parallel_loop3A_215 : i32 to index
        %parallel_loop3A_219 = arith.index_cast %parallel_loop3A_217 : i32 to index
        %parallel_loop3A_220 = tpu.vector_load %arg8[%parallel_loop3A_218, %parallel_loop3A_219] {strides = array<i32>} : memref<8x512xf32, #tpu.memory_space<vmem>>, vector<16xf32>,
        %parallel_loop3A_221 = arith.constant -1.000000e+02 : f32
        %parallel_loop3A_222 = vector.broadcast %parallel_loop3A_221 : f32 to vector<16xf32>
        %parallel_loop3A_223 = arith.subf %parallel_loop3A_220, %parallel_loop3A_222 : vector<16xf32>
        %parallel_loop3A_224 = arith.constant 2.499950e+02 : f32
        %parallel_loop3A_225 = vector.broadcast %parallel_loop3A_224 : f32 to vector<16xf32>
        %parallel_loop3A_226 = arith.mulf %parallel_loop3A_223, %parallel_loop3A_225 : vector<16xf32>
        %parallel_loop3A_227 = arith.constant 0.000000e+00 : f32
        %parallel_loop3A_228 = vector.broadcast %parallel_loop3A_227 : f32 to vector<16xf32>
        %parallel_loop3A_229 = arith.maximumf %parallel_loop3A_226, %parallel_loop3A_228 : vector<16xf32>
        %parallel_loop3A_230 = arith.constant 4.999900e+04 : f32
        %parallel_loop3A_231 = vector.broadcast %parallel_loop3A_230 : f32 to vector<16xf32>
        %parallel_loop3A_232 = arith.minimumf %parallel_loop3A_229, %parallel_loop3A_231 : vector<16xf32>
        %parallel_loop3A_233 = arith.fptosi %parallel_loop3A_232 : vector<16xf32> to vector<16xi32>
        %parallel_loop3A_234 = arith.sitofp %parallel_loop3A_233 : vector<16xi32> to vector<16xf32>
        %parallel_loop3A_235 = arith.subf %parallel_loop3A_232, %parallel_loop3A_234 : vector<16xf32>
        %parallel_loop3A_236 = tpu.vector_load_idx %arg6[%parallel_loop3A_233] : memref<50000xf32, #tpu.memory_space<vmem>>[vector<16xi32>], vector<16xf32>,
        %parallel_loop3A_237 = tpu.vector_load_idx %arg7[%parallel_loop3A_233] : memref<50000xf32, #tpu.memory_space<vmem>>[vector<16xi32>], vector<16xf32>,
        %parallel_loop3A_238 = arith.mulf %parallel_loop3A_235, %parallel_loop3A_237 : vector<16xf32>
        %parallel_loop3A_239 = arith.addf %parallel_loop3A_236, %parallel_loop3A_238 : vector<16xf32>
        %parallel_loop3A_240 = arith.constant 1.000000e+02 : f32
        %parallel_loop3A_241 = vector.broadcast %parallel_loop3A_240 : f32 to vector<16xf32>
        %parallel_loop3A_242 = arith.cmpf ogt, %parallel_loop3A_220, %parallel_loop3A_241 : vector<16xf32>
        %parallel_loop3A_243 = arith.select %parallel_loop3A_242, %parallel_loop3A_220, %parallel_loop3A_239 : vector<16xi1>, vector<16xf32>
        %parallel_loop3A_244 = arith.index_cast %parallel_loop3A_215 : i32 to index
        %parallel_loop3A_245 = arith.index_cast %parallel_loop3A_217 : i32 to index
        %parallel_loop3A_246 = tpu.vector_load %arg10[%parallel_loop3A_244, %parallel_loop3A_245] {strides = array<i32>} : memref<8x512xf32, #tpu.memory_space<vmem>>, vector<16xf32>,
        tpu.vector_store %arg10[%parallel_loop3A_244, %parallel_loop3A_245], %parallel_loop3A_243 {strides = array<i32>} : memref<8x512xf32, #tpu.memory_space<vmem>>, vector<16xf32>,
      } {sc.loop_unroll_factor = 8 : i64, sc.parallel_access}
      %jit3A_85 = arith.constant 8 : i32
      %div3A_86 = arith.divsi %add3A_72, %jit3A_85 : i32
      %sign3A_87 = arith.constant 0 : i32
      %sign3A_88 = arith.cmpi sgt, %add3A_72, %sign3A_87 : i32
      %sign3A_89 = arith.extui %sign3A_88 : i1 to i32
      %sign3A_90 = arith.constant 0 : i32
      %sign3A_91 = arith.cmpi slt, %add3A_72, %sign3A_90 : i32
      %sign3A_92 = arith.extui %sign3A_91 : i1 to i32
      %sign3A_93 = arith.subi %sign3A_89, %sign3A_92 : i32
      %sign3A_94 = arith.constant 0 : i32
      %sign3A_95 = arith.cmpi sgt, %jit3A_85, %sign3A_94 : i32
      %sign3A_96 = arith.extui %sign3A_95 : i1 to i32
      %sign3A_97 = arith.constant 0 : i32
      %sign3A_98 = arith.cmpi slt, %jit3A_85, %sign3A_97 : i32
      %sign3A_99 = arith.extui %sign3A_98 : i1 to i32
      %sign3A_100 = arith.subi %sign3A_96, %sign3A_99 : i32
      %ne3A_101 = arith.cmpi ne, %sign3A_93, %sign3A_100 : i32
      %rem3A_102 = arith.remsi %add3A_72, %jit3A_85 : i32
      %ne3A_103 = arith.constant 0 : i32
      %ne3A_104 = arith.cmpi ne, %rem3A_102, %ne3A_103 : i32
      %and3A_105 = arith.andi %ne3A_101, %ne3A_104 : i1
      %sub3A_106 = arith.constant 1 : i32
      %sub3A_107 = arith.subi %div3A_86, %sub3A_106 : i32
      %select_n3A_108 = arith.select %and3A_105, %sub3A_107, %div3A_86 : i32
      %jit3A_109 = arith.constant 8 : i32
      %eq3A_110 = arith.constant 0 : i32
      %eq3A_111 = arith.cmpi eq, %jit3A_109, %eq3A_110 : i32
      %jit3A_112 = arith.constant 1 : i32
      %select_n3A_113 = arith.select %eq3A_111, %jit3A_112, %jit3A_109 : i32
      %rem3A_114 = arith.remsi %add3A_72, %select_n3A_113 : i32
      %ne3A_115 = arith.constant 0 : i32
      %ne3A_116 = arith.cmpi ne, %rem3A_114, %ne3A_115 : i32
      %lt3A_117 = arith.constant 0 : i32
      %lt3A_118 = arith.cmpi slt, %rem3A_114, %lt3A_117 : i32
      %lt3A_119 = arith.constant 0 : i32
      %lt3A_120 = arith.cmpi slt, %select_n3A_113, %lt3A_119 : i32
      %ne3A_121 = arith.xori %lt3A_118, %lt3A_120 : i1
      %and3A_122 = arith.andi %ne3A_121, %ne3A_116 : i1
      %add3A_123 = arith.addi %rem3A_114, %select_n3A_113 : i32
      %select_n3A_124 = arith.select %and3A_122, %add3A_123, %rem3A_114 : i32
      %mul3A_125 = arith.constant 8 : i32
      %mul3A_126 = arith.muli %mul3A_125, %select_n3A_108 : i32
      %add3A_127 = arith.addi %mul3A_32, %mul3A_126 : i32
      %mul3A_128 = arith.constant 512 : i32
      %mul3A_129 = arith.muli %mul3A_128, %select_n3A_124 : i32
      %dma_start3A_130 = tpu.memref_slice %arg5[%select_n3A, %add3A_127, %mul3A_129] : memref<2x4096x4096xf32, #tpu.memory_space<hbm>> -> memref<1x8x512xf32, #tpu.memory_space<hbm>>
      %dma_start3A_131 = tpu.memref_squeeze %dma_start3A_130 : memref<1x8x512xf32, #tpu.memory_space<hbm>> -> memref<8x512xf32, #tpu.memory_space<hbm>>
      %dma_start3A_132 = tpu.memref_slice %arg5[%select_n3A, %add3A_127, %mul3A_129] : memref<2x4096x4096xf32, #tpu.memory_space<hbm>> -> memref<1x8x512xf32, #tpu.memory_space<hbm>>
      %dma_start3A_133 = tpu.memref_squeeze %dma_start3A_132 : memref<1x8x512xf32, #tpu.memory_space<hbm>> -> memref<8x512xf32, #tpu.memory_space<hbm>>
      tpu.enqueue_dma source(%arg10 : memref<8x512xf32, #tpu.memory_space<vmem>>) target(%dma_start3A_133 : memref<8x512xf32, #tpu.memory_space<hbm>>) target_semaphore(%arg14 : memref<!tpu.dma_semaphore, #tpu.memory_space<semaphore_mem>>)
      %lt3A_134 = arith.constant 127 : i32
      %lt3A_135 = arith.cmpi slt, %scan3A_68, %lt3A_134 : i32
      %convert_element_type3A_136 = arith.extui %lt3A_135 : i1 to i32
      %cond3A_137 = arith.constant 0 : i32
      %cond3A_138 = arith.cmpi ne, %convert_element_type3A_136, %cond3A_137 : i32
      scf.if %cond3A_138 {
        %add3A_213 = arith.constant 2 : i32
        %add3A_214 = arith.addi %add3A_72, %add3A_213 : i32
        %jit3A_215 = arith.constant 8 : i32
        %div3A_216 = arith.divsi %add3A_214, %jit3A_215 : i32
        %sign3A_217 = arith.constant 0 : i32
        %sign3A_218 = arith.cmpi sgt, %add3A_214, %sign3A_217 : i32
        %sign3A_219 = arith.extui %sign3A_218 : i1 to i32
        %sign3A_220 = arith.constant 0 : i32
        %sign3A_221 = arith.cmpi slt, %add3A_214, %sign3A_220 : i32
        %sign3A_222 = arith.extui %sign3A_221 : i1 to i32
        %sign3A_223 = arith.subi %sign3A_219, %sign3A_222 : i32
        %sign3A_224 = arith.constant 0 : i32
        %sign3A_225 = arith.cmpi sgt, %jit3A_215, %sign3A_224 : i32
        %sign3A_226 = arith.extui %sign3A_225 : i1 to i32
        %sign3A_227 = arith.constant 0 : i32
        %sign3A_228 = arith.cmpi slt, %jit3A_215, %sign3A_227 : i32
        %sign3A_229 = arith.extui %sign3A_228 : i1 to i32
        %sign3A_230 = arith.subi %sign3A_226, %sign3A_229 : i32
        %ne3A_231 = arith.cmpi ne, %sign3A_223, %sign3A_230 : i32
        %rem3A_232 = arith.remsi %add3A_214, %jit3A_215 : i32
        %ne3A_233 = arith.constant 0 : i32
        %ne3A_234 = arith.cmpi ne, %rem3A_232, %ne3A_233 : i32
        %and3A_235 = arith.andi %ne3A_231, %ne3A_234 : i1
        %sub3A_236 = arith.constant 1 : i32
        %sub3A_237 = arith.subi %div3A_216, %sub3A_236 : i32
        %select_n3A_238 = arith.select %and3A_235, %sub3A_237, %div3A_216 : i32
        %jit3A_239 = arith.constant 8 : i32
        %eq3A_240 = arith.constant 0 : i32
        %eq3A_241 = arith.cmpi eq, %jit3A_239, %eq3A_240 : i32
        %jit3A_242 = arith.constant 1 : i32
        %select_n3A_243 = arith.select %eq3A_241, %jit3A_242, %jit3A_239 : i32
        %rem3A_244 = arith.remsi %add3A_214, %select_n3A_243 : i32
        %ne3A_245 = arith.constant 0 : i32
        %ne3A_246 = arith.cmpi ne, %rem3A_244, %ne3A_245 : i32
        %lt3A_247 = arith.constant 0 : i32
        %lt3A_248 = arith.cmpi slt, %rem3A_244, %lt3A_247 : i32
        %lt3A_249 = arith.constant 0 : i32
        %lt3A_250 = arith.cmpi slt, %select_n3A_243, %lt3A_249 : i32
        %ne3A_251 = arith.xori %lt3A_248, %lt3A_250 : i1
        %and3A_252 = arith.andi %ne3A_251, %ne3A_246 : i1
        %add3A_253 = arith.addi %rem3A_244, %select_n3A_243 : i32
        %select_n3A_254 = arith.select %and3A_252, %add3A_253, %rem3A_244 : i32
        %mul3A_255 = arith.constant 8 : i32
        %mul3A_256 = arith.muli %mul3A_255, %select_n3A_238 : i32
        %add3A_257 = arith.addi %mul3A_32, %mul3A_256 : i32
        %mul3A_258 = arith.constant 512 : i32
        %mul3A_259 = arith.muli %mul3A_258, %select_n3A_254 : i32
        %dma_start3A_260 = tpu.memref_slice %arg2[%select_n3A, %add3A_257, %mul3A_259] : memref<2x4096x4096xf32, #tpu.memory_space<hbm>> -> memref<1x8x512xf32, #tpu.memory_space<hbm>>
        %dma_start3A_261 = tpu.memref_squeeze %dma_start3A_260 : memref<1x8x512xf32, #tpu.memory_space<hbm>> -> memref<8x512xf32, #tpu.memory_space<hbm>>
        %dma_start3A_262 = tpu.memref_slice %arg2[%select_n3A, %add3A_257, %mul3A_259] : memref<2x4096x4096xf32, #tpu.memory_space<hbm>> -> memref<1x8x512xf32, #tpu.memory_space<hbm>>
        %dma_start3A_263 = tpu.memref_squeeze %dma_start3A_262 : memref<1x8x512xf32, #tpu.memory_space<hbm>> -> memref<8x512xf32, #tpu.memory_space<hbm>>
        tpu.enqueue_dma source(%dma_start3A_263 : memref<8x512xf32, #tpu.memory_space<hbm>>) target(%arg8 : memref<8x512xf32, #tpu.memory_space<vmem>>) target_semaphore(%arg12 : memref<!tpu.dma_semaphore, #tpu.memory_space<semaphore_mem>>)
      } else {
      }
      %mul3A_139 = arith.constant 2 : i32
      %mul3A_140 = arith.muli %mul3A_139, %scan3A_68 : i32
      %add3A_141 = arith.constant 1 : i32
      %add3A_142 = arith.addi %mul3A_140, %add3A_141 : i32
      %add3A_143 = arith.constant 0 : i32
      %add3A_144 = arith.addi %mul3A_32, %add3A_143 : i32
      %dma_wait3A_145 = arith.constant 0 : i32
      %dma_wait3A_146 = tpu.memref_slice %arg2[%select_n3A, %add3A_144, %dma_wait3A_145] : memref<2x4096x4096xf32, #tpu.memory_space<hbm>> -> memref<1x8x512xf32, #tpu.memory_space<hbm>>
      %dma_wait3A_147 = tpu.memref_squeeze %dma_wait3A_146 : memref<1x8x512xf32, #tpu.memory_space<hbm>> -> memref<8x512xf32, #tpu.memory_space<hbm>>
      %dma_wait3A_148 = arith.constant 0 : i32
      %dma_wait3A_149 = tpu.memref_slice %arg2[%select_n3A, %add3A_144, %dma_wait3A_148] : memref<2x4096x4096xf32, #tpu.memory_space<hbm>> -> memref<1x8x512xf32, #tpu.memory_space<hbm>>
      %dma_wait3A_150 = tpu.memref_squeeze %dma_wait3A_149 : memref<1x8x512xf32, #tpu.memory_space<hbm>> -> memref<8x512xf32, #tpu.memory_space<hbm>>
      tpu.wait_dma2 semaphore(%arg13 : memref<!tpu.dma_semaphore, #tpu.memory_space<semaphore_mem>>) src(%dma_wait3A_150 : memref<8x512xf32, #tpu.memory_space<hbm>>) dst(%arg9 : memref<8x512xf32, #tpu.memory_space<vmem>>)
      %ge3A_151 = arith.constant 1 : i32
      %ge3A_152 = arith.cmpi sge, %scan3A_68, %ge3A_151 : i32
      %convert_element_type3A_153 = arith.extui %ge3A_152 : i1 to i32
      %cond3A_154 = arith.constant 0 : i32
      %cond3A_155 = arith.cmpi ne, %convert_element_type3A_153, %cond3A_154 : i32
      scf.if %cond3A_155 {
        %add3A_213 = arith.constant 0 : i32
        %add3A_214 = arith.addi %mul3A_32, %add3A_213 : i32
        %dma_wait3A_215 = arith.constant 0 : i32
        %dma_wait3A_216 = tpu.memref_slice %arg5[%select_n3A, %add3A_214, %dma_wait3A_215] : memref<2x4096x4096xf32, #tpu.memory_space<hbm>> -> memref<1x8x512xf32, #tpu.memory_space<hbm>>
        %dma_wait3A_217 = tpu.memref_squeeze %dma_wait3A_216 : memref<1x8x512xf32, #tpu.memory_space<hbm>> -> memref<8x512xf32, #tpu.memory_space<hbm>>
        %dma_wait3A_218 = arith.constant 0 : i32
        %dma_wait3A_219 = tpu.memref_slice %arg5[%select_n3A, %add3A_214, %dma_wait3A_218] : memref<2x4096x4096xf32, #tpu.memory_space<hbm>> -> memref<1x8x512xf32, #tpu.memory_space<hbm>>
        %dma_wait3A_220 = tpu.memref_squeeze %dma_wait3A_219 : memref<1x8x512xf32, #tpu.memory_space<hbm>> -> memref<8x512xf32, #tpu.memory_space<hbm>>
        tpu.wait_dma2 semaphore(%arg15 : memref<!tpu.dma_semaphore, #tpu.memory_space<semaphore_mem>>) src(%arg11 : memref<8x512xf32, #tpu.memory_space<vmem>>) dst(%dma_wait3A_220 : memref<8x512xf32, #tpu.memory_space<hbm>>)
      } else {
      }
      %parallel_loop3A_156 = arith.constant 0 : i32
      %parallel_loop3A_157 = arith.constant 4096 : i32
      %parallel_loop3A_158 = arith.constant 16 : i32
      scf.for %parallel_loop3A_213 = %parallel_loop3A_156 to %parallel_loop3A_157 step %parallel_loop3A_158  : i32 {
        %parallel_loop3A_214 = arith.constant 9 : i32
        %parallel_loop3A_215 = arith.shrsi %parallel_loop3A_213, %parallel_loop3A_214 : i32
        %parallel_loop3A_216 = arith.constant 511 : i32
        %parallel_loop3A_217 = arith.andi %parallel_loop3A_213, %parallel_loop3A_216 : i32
        %parallel_loop3A_218 = arith.index_cast %parallel_loop3A_215 : i32 to index
        %parallel_loop3A_219 = arith.index_cast %parallel_loop3A_217 : i32 to index
        %parallel_loop3A_220 = tpu.vector_load %arg9[%parallel_loop3A_218, %parallel_loop3A_219] {strides = array<i32>} : memref<8x512xf32, #tpu.memory_space<vmem>>, vector<16xf32>,
        %parallel_loop3A_221 = arith.constant -1.000000e+02 : f32
        %parallel_loop3A_222 = vector.broadcast %parallel_loop3A_221 : f32 to vector<16xf32>
        %parallel_loop3A_223 = arith.subf %parallel_loop3A_220, %parallel_loop3A_222 : vector<16xf32>
        %parallel_loop3A_224 = arith.constant 2.499950e+02 : f32
        %parallel_loop3A_225 = vector.broadcast %parallel_loop3A_224 : f32 to vector<16xf32>
        %parallel_loop3A_226 = arith.mulf %parallel_loop3A_223, %parallel_loop3A_225 : vector<16xf32>
        %parallel_loop3A_227 = arith.constant 0.000000e+00 : f32
        %parallel_loop3A_228 = vector.broadcast %parallel_loop3A_227 : f32 to vector<16xf32>
        %parallel_loop3A_229 = arith.maximumf %parallel_loop3A_226, %parallel_loop3A_228 : vector<16xf32>
        %parallel_loop3A_230 = arith.constant 4.999900e+04 : f32
        %parallel_loop3A_231 = vector.broadcast %parallel_loop3A_230 : f32 to vector<16xf32>
        %parallel_loop3A_232 = arith.minimumf %parallel_loop3A_229, %parallel_loop3A_231 : vector<16xf32>
        %parallel_loop3A_233 = arith.fptosi %parallel_loop3A_232 : vector<16xf32> to vector<16xi32>
        %parallel_loop3A_234 = arith.sitofp %parallel_loop3A_233 : vector<16xi32> to vector<16xf32>
        %parallel_loop3A_235 = arith.subf %parallel_loop3A_232, %parallel_loop3A_234 : vector<16xf32>
        %parallel_loop3A_236 = tpu.vector_load_idx %arg6[%parallel_loop3A_233] : memref<50000xf32, #tpu.memory_space<vmem>>[vector<16xi32>], vector<16xf32>,
        %parallel_loop3A_237 = tpu.vector_load_idx %arg7[%parallel_loop3A_233] : memref<50000xf32, #tpu.memory_space<vmem>>[vector<16xi32>], vector<16xf32>,
        %parallel_loop3A_238 = arith.mulf %parallel_loop3A_235, %parallel_loop3A_237 : vector<16xf32>
        %parallel_loop3A_239 = arith.addf %parallel_loop3A_236, %parallel_loop3A_238 : vector<16xf32>
        %parallel_loop3A_240 = arith.constant 1.000000e+02 : f32
        %parallel_loop3A_241 = vector.broadcast %parallel_loop3A_240 : f32 to vector<16xf32>
        %parallel_loop3A_242 = arith.cmpf ogt, %parallel_loop3A_220, %parallel_loop3A_241 : vector<16xf32>
        %parallel_loop3A_243 = arith.select %parallel_loop3A_242, %parallel_loop3A_220, %parallel_loop3A_239 : vector<16xi1>, vector<16xf32>
        %parallel_loop3A_244 = arith.index_cast %parallel_loop3A_215 : i32 to index
        %parallel_loop3A_245 = arith.index_cast %parallel_loop3A_217 : i32 to index
        %parallel_loop3A_246 = tpu.vector_load %arg11[%parallel_loop3A_244, %parallel_loop3A_245] {strides = array<i32>} : memref<8x512xf32, #tpu.memory_space<vmem>>, vector<16xf32>,
        tpu.vector_store %arg11[%parallel_loop3A_244, %parallel_loop3A_245], %parallel_loop3A_243 {strides = array<i32>} : memref<8x512xf32, #tpu.memory_space<vmem>>, vector<16xf32>,
      } {sc.loop_unroll_factor = 8 : i64, sc.parallel_access}
      %jit3A_159 = arith.constant 8 : i32
      %div3A_160 = arith.divsi %add3A_142, %jit3A_159 : i32
      %sign3A_161 = arith.constant 0 : i32
      %sign3A_162 = arith.cmpi sgt, %add3A_142, %sign3A_161 : i32
      %sign3A_163 = arith.extui %sign3A_162 : i1 to i32
      %sign3A_164 = arith.constant 0 : i32
      %sign3A_165 = arith.cmpi slt, %add3A_142, %sign3A_164 : i32
      %sign3A_166 = arith.extui %sign3A_165 : i1 to i32
      %sign3A_167 = arith.subi %sign3A_163, %sign3A_166 : i32
      %sign3A_168 = arith.constant 0 : i32
      %sign3A_169 = arith.cmpi sgt, %jit3A_159, %sign3A_168 : i32
      %sign3A_170 = arith.extui %sign3A_169 : i1 to i32
      %sign3A_171 = arith.constant 0 : i32
      %sign3A_172 = arith.cmpi slt, %jit3A_159, %sign3A_171 : i32
      %sign3A_173 = arith.extui %sign3A_172 : i1 to i32
      %sign3A_174 = arith.subi %sign3A_170, %sign3A_173 : i32
      %ne3A_175 = arith.cmpi ne, %sign3A_167, %sign3A_174 : i32
      %rem3A_176 = arith.remsi %add3A_142, %jit3A_159 : i32
      %ne3A_177 = arith.constant 0 : i32
      %ne3A_178 = arith.cmpi ne, %rem3A_176, %ne3A_177 : i32
      %and3A_179 = arith.andi %ne3A_175, %ne3A_178 : i1
      %sub3A_180 = arith.constant 1 : i32
      %sub3A_181 = arith.subi %div3A_160, %sub3A_180 : i32
      %select_n3A_182 = arith.select %and3A_179, %sub3A_181, %div3A_160 : i32
      %jit3A_183 = arith.constant 8 : i32
      %eq3A_184 = arith.constant 0 : i32
      %eq3A_185 = arith.cmpi eq, %jit3A_183, %eq3A_184 : i32
      %jit3A_186 = arith.constant 1 : i32
      %select_n3A_187 = arith.select %eq3A_185, %jit3A_186, %jit3A_183 : i32
      %rem3A_188 = arith.remsi %add3A_142, %select_n3A_187 : i32
      %ne3A_189 = arith.constant 0 : i32
      %ne3A_190 = arith.cmpi ne, %rem3A_188, %ne3A_189 : i32
      %lt3A_191 = arith.constant 0 : i32
      %lt3A_192 = arith.cmpi slt, %rem3A_188, %lt3A_191 : i32
      %lt3A_193 = arith.constant 0 : i32
      %lt3A_194 = arith.cmpi slt, %select_n3A_187, %lt3A_193 : i32
      %ne3A_195 = arith.xori %lt3A_192, %lt3A_194 : i1
      %and3A_196 = arith.andi %ne3A_195, %ne3A_190 : i1
      %add3A_197 = arith.addi %rem3A_188, %select_n3A_187 : i32
      %select_n3A_198 = arith.select %and3A_196, %add3A_197, %rem3A_188 : i32
      %mul3A_199 = arith.constant 8 : i32
      %mul3A_200 = arith.muli %mul3A_199, %select_n3A_182 : i32
      %add3A_201 = arith.addi %mul3A_32, %mul3A_200 : i32
      %mul3A_202 = arith.constant 512 : i32
      %mul3A_203 = arith.muli %mul3A_202, %select_n3A_198 : i32
      %dma_start3A_204 = tpu.memref_slice %arg5[%select_n3A, %add3A_201, %mul3A_203] : memref<2x4096x4096xf32, #tpu.memory_space<hbm>> -> memref<1x8x512xf32, #tpu.memory_space<hbm>>
      %dma_start3A_205 = tpu.memref_squeeze %dma_start3A_204 : memref<1x8x512xf32, #tpu.memory_space<hbm>> -> memref<8x512xf32, #tpu.memory_space<hbm>>
      %dma_start3A_206 = tpu.memref_slice %arg5[%select_n3A, %add3A_201, %mul3A_203] : memref<2x4096x4096xf32, #tpu.memory_space<hbm>> -> memref<1x8x512xf32, #tpu.memory_space<hbm>>
      %dma_start3A_207 = tpu.memref_squeeze %dma_start3A_206 : memref<1x8x512xf32, #tpu.memory_space<hbm>> -> memref<8x512xf32, #tpu.memory_space<hbm>>
      tpu.enqueue_dma source(%arg11 : memref<8x512xf32, #tpu.memory_space<vmem>>) target(%dma_start3A_207 : memref<8x512xf32, #tpu.memory_space<hbm>>) target_semaphore(%arg15 : memref<!tpu.dma_semaphore, #tpu.memory_space<semaphore_mem>>)
      %lt3A_208 = arith.constant 127 : i32
      %lt3A_209 = arith.cmpi slt, %scan3A_68, %lt3A_208 : i32
      %convert_element_type3A_210 = arith.extui %lt3A_209 : i1 to i32
      %cond3A_211 = arith.constant 0 : i32
      %cond3A_212 = arith.cmpi ne, %convert_element_type3A_210, %cond3A_211 : i32
      scf.if %cond3A_212 {
        %add3A_213 = arith.constant 2 : i32
        %add3A_214 = arith.addi %add3A_142, %add3A_213 : i32
        %jit3A_215 = arith.constant 8 : i32
        %div3A_216 = arith.divsi %add3A_214, %jit3A_215 : i32
        %sign3A_217 = arith.constant 0 : i32
        %sign3A_218 = arith.cmpi sgt, %add3A_214, %sign3A_217 : i32
        %sign3A_219 = arith.extui %sign3A_218 : i1 to i32
        %sign3A_220 = arith.constant 0 : i32
        %sign3A_221 = arith.cmpi slt, %add3A_214, %sign3A_220 : i32
        %sign3A_222 = arith.extui %sign3A_221 : i1 to i32
        %sign3A_223 = arith.subi %sign3A_219, %sign3A_222 : i32
        %sign3A_224 = arith.constant 0 : i32
        %sign3A_225 = arith.cmpi sgt, %jit3A_215, %sign3A_224 : i32
        %sign3A_226 = arith.extui %sign3A_225 : i1 to i32
        %sign3A_227 = arith.constant 0 : i32
        %sign3A_228 = arith.cmpi slt, %jit3A_215, %sign3A_227 : i32
        %sign3A_229 = arith.extui %sign3A_228 : i1 to i32
        %sign3A_230 = arith.subi %sign3A_226, %sign3A_229 : i32
        %ne3A_231 = arith.cmpi ne, %sign3A_223, %sign3A_230 : i32
        %rem3A_232 = arith.remsi %add3A_214, %jit3A_215 : i32
        %ne3A_233 = arith.constant 0 : i32
        %ne3A_234 = arith.cmpi ne, %rem3A_232, %ne3A_233 : i32
        %and3A_235 = arith.andi %ne3A_231, %ne3A_234 : i1
        %sub3A_236 = arith.constant 1 : i32
        %sub3A_237 = arith.subi %div3A_216, %sub3A_236 : i32
        %select_n3A_238 = arith.select %and3A_235, %sub3A_237, %div3A_216 : i32
        %jit3A_239 = arith.constant 8 : i32
        %eq3A_240 = arith.constant 0 : i32
        %eq3A_241 = arith.cmpi eq, %jit3A_239, %eq3A_240 : i32
        %jit3A_242 = arith.constant 1 : i32
        %select_n3A_243 = arith.select %eq3A_241, %jit3A_242, %jit3A_239 : i32
        %rem3A_244 = arith.remsi %add3A_214, %select_n3A_243 : i32
        %ne3A_245 = arith.constant 0 : i32
        %ne3A_246 = arith.cmpi ne, %rem3A_244, %ne3A_245 : i32
        %lt3A_247 = arith.constant 0 : i32
        %lt3A_248 = arith.cmpi slt, %rem3A_244, %lt3A_247 : i32
        %lt3A_249 = arith.constant 0 : i32
        %lt3A_250 = arith.cmpi slt, %select_n3A_243, %lt3A_249 : i32
        %ne3A_251 = arith.xori %lt3A_248, %lt3A_250 : i1
        %and3A_252 = arith.andi %ne3A_251, %ne3A_246 : i1
        %add3A_253 = arith.addi %rem3A_244, %select_n3A_243 : i32
        %select_n3A_254 = arith.select %and3A_252, %add3A_253, %rem3A_244 : i32
        %mul3A_255 = arith.constant 8 : i32
        %mul3A_256 = arith.muli %mul3A_255, %select_n3A_238 : i32
        %add3A_257 = arith.addi %mul3A_32, %mul3A_256 : i32
        %mul3A_258 = arith.constant 512 : i32
        %mul3A_259 = arith.muli %mul3A_258, %select_n3A_254 : i32
        %dma_start3A_260 = tpu.memref_slice %arg2[%select_n3A, %add3A_257, %mul3A_259] : memref<2x4096x4096xf32, #tpu.memory_space<hbm>> -> memref<1x8x512xf32, #tpu.memory_space<hbm>>
        %dma_start3A_261 = tpu.memref_squeeze %dma_start3A_260 : memref<1x8x512xf32, #tpu.memory_space<hbm>> -> memref<8x512xf32, #tpu.memory_space<hbm>>
        %dma_start3A_262 = tpu.memref_slice %arg2[%select_n3A, %add3A_257, %mul3A_259] : memref<2x4096x4096xf32, #tpu.memory_space<hbm>> -> memref<1x8x512xf32, #tpu.memory_space<hbm>>
        %dma_start3A_263 = tpu.memref_squeeze %dma_start3A_262 : memref<1x8x512xf32, #tpu.memory_space<hbm>> -> memref<8x512xf32, #tpu.memory_space<hbm>>
        tpu.enqueue_dma source(%dma_start3A_263 : memref<8x512xf32, #tpu.memory_space<hbm>>) target(%arg9 : memref<8x512xf32, #tpu.memory_space<vmem>>) target_semaphore(%arg13 : memref<!tpu.dma_semaphore, #tpu.memory_space<semaphore_mem>>)
      } else {
      }
    }
    %scan3A_52 = arith.constant 128 : i32
    %add3A_53 = arith.constant 0 : i32
    %add3A_54 = arith.addi %mul3A_32, %add3A_53 : i32
    %dma_wait3A = arith.constant 0 : i32
    %dma_wait3A_55 = tpu.memref_slice %arg5[%select_n3A, %add3A_54, %dma_wait3A] : memref<2x4096x4096xf32, #tpu.memory_space<hbm>> -> memref<1x8x512xf32, #tpu.memory_space<hbm>>
    %dma_wait3A_56 = tpu.memref_squeeze %dma_wait3A_55 : memref<1x8x512xf32, #tpu.memory_space<hbm>> -> memref<8x512xf32, #tpu.memory_space<hbm>>
    %dma_wait3A_57 = arith.constant 0 : i32
    %dma_wait3A_58 = tpu.memref_slice %arg5[%select_n3A, %add3A_54, %dma_wait3A_57] : memref<2x4096x4096xf32, #tpu.memory_space<hbm>> -> memref<1x8x512xf32, #tpu.memory_space<hbm>>
    %dma_wait3A_59 = tpu.memref_squeeze %dma_wait3A_58 : memref<1x8x512xf32, #tpu.memory_space<hbm>> -> memref<8x512xf32, #tpu.memory_space<hbm>>
    tpu.wait_dma2 semaphore(%arg14 : memref<!tpu.dma_semaphore, #tpu.memory_space<semaphore_mem>>) src(%arg10 : memref<8x512xf32, #tpu.memory_space<vmem>>) dst(%dma_wait3A_59 : memref<8x512xf32, #tpu.memory_space<hbm>>)
    %add3A_60 = arith.constant 0 : i32
    %add3A_61 = arith.addi %mul3A_32, %add3A_60 : i32
    %dma_wait3A_62 = arith.constant 0 : i32
    %dma_wait3A_63 = tpu.memref_slice %arg5[%select_n3A, %add3A_61, %dma_wait3A_62] : memref<2x4096x4096xf32, #tpu.memory_space<hbm>> -> memref<1x8x512xf32, #tpu.memory_space<hbm>>
    %dma_wait3A_64 = tpu.memref_squeeze %dma_wait3A_63 : memref<1x8x512xf32, #tpu.memory_space<hbm>> -> memref<8x512xf32, #tpu.memory_space<hbm>>
    %dma_wait3A_65 = arith.constant 0 : i32
    %dma_wait3A_66 = tpu.memref_slice %arg5[%select_n3A, %add3A_61, %dma_wait3A_65] : memref<2x4096x4096xf32, #tpu.memory_space<hbm>> -> memref<1x8x512xf32, #tpu.memory_space<hbm>>
    %dma_wait3A_67 = tpu.memref_squeeze %dma_wait3A_66 : memref<1x8x512xf32, #tpu.memory_space<hbm>> -> memref<8x512xf32, #tpu.memory_space<hbm>>
    tpu.wait_dma2 semaphore(%arg15 : memref<!tpu.dma_semaphore, #tpu.memory_space<semaphore_mem>>) src(%arg11 : memref<8x512xf32, #tpu.memory_space<vmem>>) dst(%dma_wait3A_67 : memref<8x512xf32, #tpu.memory_space<hbm>>)
    return
  }
}

</mosaic_0001>

<sc_bundles>
// kernel: kernel.3.cloned.1.call-start
scs
__scs_entry_jumppad:
0x0: {  	(pc) =	sbr.rel $0x88, $3  }
0x1: {  	(tag) =	ssettag $0x0;
	lr =	simm.s32 $0x1  }
0x2: {  	[smem:$0x3F9E] =	sst lr;
	_ =	strace $0xD0000000  }
0x3: {  	_ = 	snop  }
0x4: {  	_ = 	snop  }
0x5: {  	_ = 	snop  }
0x6: {  	_ = 	snop  }
0x7: {  	_ = 	snop  }
__scs_overlays_trampoline_lowered:
0x8: {  	[smem:$0x3FAD] =	sst s0  }
0x9: {  	[smem:$0x3FAE] =	sst s1  }
0xa: {  	[smem:$0x3FAF] =	sst s2  }
0xb: {  	[smem:$0x3FB0] =	sst s3  }
0xc: {  	[smem:$0x3FB1] =	sst s4  }
0xd: {  	[smem:$0x3FB2] =	sst s5  }
0xe: {  	[smem:$0x3FB3] =	sst s6  }
0xf: {  	[smem:$0x3FB4] =	sst s7  }
0x10: {  	[smem:$0x3FB5] =	sst s8  }
0x11: {  	[smem:$0x3FB6] =	sst s9;
	s0 =	simm.s32 @!p0 $0x0  }
0x12: {  	s1 =	sld [smem:$0x3F9C];
	s0 =	simm.s32 @p0 $0x1  }
0x13: {  	[smem:$0x3FB7] =	sst s0;
	s0 =	simm.s32 @!p1 $0x0  }
0x14: {  	s2 =	sld [smem:$0x3F9B];
	s0 =	simm.s32 @p1 $0x1  }
0x15: {  	[smem:$0x3FB8] =	sst s0;
	s0 =	simm.s32 @!p2 $0x0  }
0x16: {  	s3 =	sld [smem:$0x3FDB];
	s0 =	simm.s32 @p2 $0x1  }
0x17: {  	s4 =	simm.s32 $0x1BF5;
	[smem:$0x3FBA] =	sst s0  }
0x18: {  	s0 =	sld [smem:$0x3F9D];
	_ =	swait.ge [sflag:s4], $0x0  }
0x19: {  	s7 =	sld [smem:$0x3F9E]  }
0x1a: {  	s8 =	sadd.s32 $0xFFFFE003, lr  }
0x1b: {  	s9 =	sadd.s32 $0xFFFFFEF7, lr;
	s5 =	simm.s32 $0xFFFFFFFF;
	p2 =	slt.u32 s8, $0xFFFFF086  }
0x1c: {  	p1 =	slt.u32 s9, $0xF7A;
	s5 =	simm.s32 @!p2 $0x0  }
0x1d: {  	s5 =	simm.s32 @p1 $0x1;
	p0 =	seq.s32 s7, s2  }
0x1e: {  	s7 =	smul.u32 @!p0 $0xF7A, s2;
	p2 =	seq.s32 @!p0 s5, $0x0  }
0x1f: {  	s9 =	smul.u32 $0xF7A, s1;
	s8 =	simm.s32 @!p0 $0x1BF5;
	p2 =	por !p2, p0  }
0x20: {  	[sflag:s8] =	ssyncset.s32 @!p0 $0xFFFFF086;
	s6 =	sadd.s32 @!p0 s3, s7;
	s7 =	simm.s32 @!p0 $0x108  }
0x21: {  	s3 =	sadd.s32 s3, s9;
	s6 =	sadd.s32 @!p0 $0x88, s6;
	s7 =	simm.s32 @p2 $0x1082  }
0x22: {  	[simem:s7], [sflag:s8] =	dma.local @!p0 [hbm:s6], $0xF7A  }
0x23: {  	s9 =	sor.u32 $0xD0000000, s2;
	s6 =	simm.s32 $0x108;
	_ =	swait.ge @!p0 [sflag:s8], $0x0  }
0x24: {  	s3 =	sadd.s32 $0x88, s3;
	s6 =	simm.s32 @!p1 $0x1082;
	[sflag:s4] =	ssyncset.s32 $0xFFFFF086  }
0x25: {  	[simem:s6], [sflag:s4] =	dma.local [hbm:s3], $0xF7A  }
0x26: {  	[smem:$0x3F9E] =	sst s1;
	(tag) =	ssettag s2;
	_ =	strace s9  }
0x27: {  	s1 =	sld [smem:$0x3FAE]  }
0x28: {  	s2 =	sld [smem:$0x3FAF]  }
0x29: {  	s4 =	sld [smem:$0x3FB1]  }
0x2a: {  	p0 =	seq.s32 s5, $0x0;
	s5 =	sld [smem:$0x3FB2]  }
0x2b: {  	s6 =	sld [smem:$0x3FB3]  }
0x2c: {  	s7 =	sld [smem:$0x3FB4]  }
0x2d: {  	s3 =	simm.s32 $0x108;
	s8 =	sld [smem:$0x3FB5]  }
0x2e: {  	s3 =	simm.s32 @!p0 $0x1082;
	s9 =	sld [smem:$0x3FB6]  }
0x2f: {  	lr =	sadd.s32 s0, s3;
	s0 =	sld [smem:$0x3FAD]  }
0x30: {  	s3 =	sld [smem:$0x3FB0]  }
0x31: {  	[smem:$0x3FB9] =	sst s10  }
0x32: {  	s10 =	sld [smem:$0x3FB7];
	_ =	sdelay $0x3  }
0x33: {  	p0 =	seq.s32 s10, $0x1;
	s10 =	sld [smem:$0x3FB9];
	_ =	sdelay $0x3  }
0x34: {  	[smem:$0x3FB9] =	sst s10  }
0x35: {  	s10 =	sld [smem:$0x3FB8];
	_ =	sdelay $0x3  }
0x36: {  	p1 =	seq.s32 s10, $0x1;
	s10 =	sld [smem:$0x3FB9];
	_ =	sdelay $0x3  }
0x37: {  	[smem:$0x3FB9] =	sst s10  }
0x38: {  	s10 =	sld [smem:$0x3FBA]  }
0x39: {  	_ = 	snop;
	(pc) =	sbr.ind lr, $3  }
0x3a: {  	_ = 	snop  }
0x3b: {  	_ = 	snop  }
0x3c: {  	p2 =	seq.s32 s10, $0x1;
	s10 =	sld [smem:$0x3FB9]  }
0x3d: {  	_ =	shalt  }
0x3e: {  	_ =	shalt  }
0x3f: {  	_ =	shalt  }
0x40: {  	_ =	shalt  }
0x41: {  	_ =	shalt  }
0x42: {  	_ =	shalt  }
0x43: {  	_ =	shalt  }
0x44: {  	_ =	shalt  }
0x45: {  	_ =	shalt  }
0x46: {  	_ =	shalt  }
0x47: {  	_ =	shalt  }
0x48: {  	_ =	shalt  }
0x49: {  	_ =	shalt  }
0x4a: {  	_ =	shalt  }
0x4b: {  	_ =	shalt  }
0x4c: {  	_ =	shalt  }
0x4d: {  	_ =	shalt  }
0x4e: {  	_ =	shalt  }
0x4f: {  	_ =	shalt  }
0x50: {  	_ =	shalt  }
0x51: {  	_ =	shalt  }
0x52: {  	_ =	shalt  }
0x53: {  	_ =	shalt  }
0x54: {  	_ =	shalt  }
0x55: {  	_ =	shalt  }
0x56: {  	_ =	shalt  }
0x57: {  	_ =	shalt  }
0x58: {  	_ =	shalt  }
0x59: {  	_ =	shalt  }
0x5a: {  	_ =	shalt  }
0x5b: {  	_ =	shalt  }
0x5c: {  	_ =	shalt  }
0x5d: {  	_ =	shalt  }
0x5e: {  	_ =	shalt  }
0x5f: {  	_ =	shalt  }
0x60: {  	_ =	shalt  }
0x61: {  	_ =	shalt  }
0x62: {  	_ =	shalt  }
0x63: {  	_ =	shalt  }
0x64: {  	_ =	shalt  }
0x65: {  	_ =	shalt  }
0x66: {  	_ =	shalt  }
0x67: {  	_ =	shalt  }
0x68: {  	_ =	shalt  }
0x69: {  	_ =	shalt  }
0x6a: {  	_ =	shalt  }
0x6b: {  	_ =	shalt  }
0x6c: {  	_ =	shalt  }
0x6d: {  	_ =	shalt  }
0x6e: {  	_ =	shalt  }
0x6f: {  	_ =	shalt  }
0x70: {  	_ =	shalt  }
0x71: {  	_ =	shalt  }
0x72: {  	_ =	shalt  }
0x73: {  	_ =	shalt  }
0x74: {  	_ =	shalt  }
0x75: {  	_ =	shalt  }
0x76: {  	_ =	shalt  }
0x77: {  	_ =	shalt  }
0x78: {  	_ =	shalt  }
0x79: {  	_ =	shalt  }
0x7a: {  	_ =	shalt  }
0x7b: {  	_ =	shalt  }
0x7c: {  	_ =	shalt  }
0x7d: {  	_ =	shalt  }
0x7e: {  	_ =	shalt  }
0x7f: {  	_ =	shalt  }
0x80: {  	_ =	shalt  }
0x81: {  	_ =	shalt  }
0x82: {  	_ =	shalt  }
0x83: {  	_ =	shalt  }
0x84: {  	_ =	shalt  }
0x85: {  	_ =	shalt  }
0x86: {  	_ =	shalt  }
0x87: {  	_ =	shalt  }
.Lfunc_end0:
.L_simem_size_0:
called_computation_lowered:
.L_overlay_start_0:
0x88: {  	s2 =	sld [smem:$0x3FD9]  }
0x89: {  	s3 =	sld [smem:$0x3FFE];
	_ =	sdelay $0x1  }
0x8a: {  	s1 =	srdreg.scid  }
0x8b: {  	s0 =	sand.u32 $0x1, s1  }
0x8c: {  	s18 =	sshll.u32 s0, $0xA;
	s2 =	sadd.s32 s3, s2  }
0x8d: {  	s2 =	sadd.s32 s2, s18  }
0x8e: {  	[smem:$0x3FC5] =	sst s2  }
0x8f: {  	_ = 	snop  }
0x90: {  	s2 =	sld [smem:$0x3FC9]  }
0x91: {  	s19 =	sld [smem:$0x3FC8]  }
0x92: {  	s4 =	sld [smem:$0x3FC7]  }
0x93: {  	s5 =	sld [smem:$0x3FD0];
	(tm) =	ssettm $0x1  }
0x94: {  	s6 =	sld [smem:$0x3FFB];
	_ =	sdelay $0x3  }
0x95: {  	_ =	strace s6  }
0x96: {  	s6 =	sld [smem:$0x3FFC];
	_ =	sdelay $0x3  }
0x97: {  	_ =	strace s6  }
0x98: {  	s6 =	sld [smem:$0x3FFD];
	_ =	sdelay $0x3  }
0x99: {  	_ =	strace s6  }
0x9a: {  	_ =	strace $0x8FFFFFFF  }
0x9b: {  	s20 =	sld [smem:$0x3FDB];
	_ =	sdelay $0x1  }
0x9c: {  	s7 =	simm.s32 $_scs_section_size  }
0x9d: {  	s8 =	simm.s32 $_size__tile_overlayer_lowered;
	s9 =	simm.s32 $_tile_overlayer_lowered  }
0x9e: {  	s23 =	simm.s32 $0x1BFF;
	s22 =	sshll.u32 s9, $0x1;
	s6 =	sadd.s32 s7, s20  }
0x9f: {  	s10 =	simm.s32 $0x0;
	s21 =	sshll.u32 s8, $0x1;
	s8 =	sadd.s32 s22, s6  }
0xa0: {  	[timem:s10], [sflag:s23] =	dma.local [hbm:s8], s21  }
0xa1: {  	_ =	swait.ge [sflag:s23], s21  }
0xa2: {  	s7 =	ssub.s32 $0x0, s21;
	[sflag:s23] =	ssyncset.done $0x0  }
0xa3: {  	[sflag:s23] =	ssyncadd.s32 s7;
	_ =	sdelay $0x1  }
0xa4: {  	s24 =	simm.s32 $0x1B8B  }
0xa5: {  	_ =	swait.ge [sflag:s24], $0x1  }
0xa6: {  	[sflag:s24] =	ssyncset.done $0x0  }
0xa7: {  	s25 =	simm.s32 $0x1B8E;
	[sflag:s24] =	ssyncadd.s32 $0xFFFFFFFF  }
0xa8: {  	s26 =	simm.s32 $execute0_lowered;
	[smem:$0x3FD2] =	sst s25  }
0xa9: {  	s7 =	sshll.u32 s26, $0x1;
	_ =	strace $0x80000046;
	[dreg:$0x1] =	wrdreg $0xFFFFFFFF  }
0xaa: {  	s28 =	simm.s32 $_size_execute0_lowered;
	s6 =	sadd.s32 s6, s7;
	[dreg:$0x0] =	wrdreg $0x0  }
0xab: {  	s7 =	sshll.u32 s28, $0x1;
	[dreg:$0x2] =	wrdreg s6  }
0xac: {  	[dreg:$0x3] =	wrdreg s7  }
0xad: {  	[dreg:$0x4] =	wrdreg $0xC0  }
0xae: {  	_ =	task [dreg:s10], $0x5FFFF  }
0xaf: {  	[dreg:$0x1] =	wrdreg $0xFFFFFFFF  }
0xb0: {  	[dreg:$0x0] =	wrdreg $0x60  }
0xb1: {  	[dreg:$0x2] =	wrdreg s2  }
0xb2: {  	[dreg:$0x3] =	wrdreg s19  }
0xb3: {  	[dreg:$0x4] =	wrdreg s4  }
0xb4: {  	[dreg:$0x5] =	wrdreg s5  }
0xb5: {  	[dreg:$0x6] =	wrdreg $0x9  }
0xb6: {  	_ =	task.clear_ibuf [dreg:s10], $0x7FFFF;
	_ =	strace $0x90000046  }
0xb7: {  	s29 =	simm.s32 $0x9;
	_ =	strace $0x80000048  }
0xb8: {  	_ =	swait.ge [sflag:s29], $0x1  }
0xb9: {  	[sflag:s29] =	ssyncadd.s32 $0xFFFFFFFF  }
0xba: {  	_ =	strace $0x90000048  }
0xbb: {  	_ =	sfence  }
0xbc: {  	s30 =	sld [smem:$0x0];
	_ =	sdelay $0x2  }
0xbd: {  	s31 =	sshll.u32 s1, $0xD;
	s1 =	sshrl.u32 s1, $0x2  }
0xbe: {  	s3 =	sand.u32 $0x4000, s31;
	s1 =	sadd.s32 s1, s30  }
0xbf: {  	s0 =	sor.u32 s3, s0;
	s1 =	sshll.u32 s1, $0x11  }
0xc0: {  	s0 =	sor.u32 s1, s0  }
0xc1: {  	s0 =	sadd.s32 $0x8F2B, s0  }
0xc2: {  	[sflag:s0] =	ssyncadd.remote.s32 $0x1  }
0xc3: {  	_ =	sfence.sel $0xFFFF  }
0xc4: {  	[dreg:$0x0] =	wrdreg $0xFFFFFFFF;
	(pc) =	sbr.abs _section_cstart, $3  }
0xc5: {  	[dreg:$0x1] =	wrdreg $0xFFFFFFFF  }
0xc6: {  	_ =	task.clear_ibuf [dreg:s10], $0x2FFFF;
	_ =	strace $0x9FFFFFFF  }
0xc7: {  	(tm) =	ssettm $0x7FFFFFFF  }
tec
execute0_lowered:
.L_overlay_start_1:
0x0: {  	(tag) =	ssettag $0x1  }
0x1: {  	s3 =	stileid.u32  }
0x2: {  	s1 =	rddreg [dreg:$0x0];
	s0 =	srdreg.scid  }
0x3: {  	s5 =	rddreg [dreg:$0x3];
	s7 =	simm.s32 $0x0;
	s11 =	simm.s32 $0xC380  }
0x4: {  	s12 =	simm.s32 $0x18700;
	s13 =	simm.s32 $0x19700;
	s14 =	simm.s32 $0x5  }
0x5: {  	s15 =	simm.s32 $0x1;
	s16 =	simm.s32 $0x1A700;
	s2 =	sshll.u32 s3, $0x1  }
0x6: {  	s17 =	simm.s32 $0x2;
	s0 =	sand.u32 $0x1, s0;
	s2 =	sand.u32 $0xE, s2  }
0x7: {  	s18 =	simm.s32 $0x4;
	s3 =	sshll.u32 s3, $0x15;
	s2 =	sor.u32 s0, s2  }
0x8: {  	s3 =	sand.u32 $0x1000000, s3;
	s0 =	ssub.s32 $0x2, s0;
	s2 =	sshll.u32 s2, $0x14  }
.Ltmp0:
0x9: {  	s31 =	sshrl.u32 s0, $0x1;
	s6 =	sor.u32 s3, s2;
	(pc) =	sbr.rel .LBB2_1-.Ltmp0, $4  }
0xa: {  	s19 =	simm.s32 $0x1B700;
	s0 =	ssub.s32 s0, s31;
	s2 =	sshrl.u32 s6, $0x3  }
0xb: {  	[smem:$0x7FF] =	sst s7;
	s0 =	smax.u32 s0, $0x1;
	s8 =	sadd.s32 s1, s2  }
0xc: {  	_ =	strace $0x80000047;
	[dreg:$0x6] =	wrdreg s0;
	s2 =	sadd.s32 $0x200, s8  }
0xd: {  	s20 =	simm.s32 $0x3;
	s21 =	simm.s32 $0x0;
	[dreg:$0x5] =	wrdreg s2  }
.LBB2_12:
0xe: {  	_ =	swait.ge [sflag:s20], $0x1000  }
0xf: {  	[sflag:s20] =	ssyncset.done $0x0  }
0x10: {  	[sflag:s20] =	ssyncadd.s32 $0xFFFFF000  }
0x11: {  	_ =	swait.ge [sflag:s18], $0x1000  }
0x12: {  	s21 =	sadd.s32 $0x1, s21;
	s0 =	rddreg [dreg:$0x6]  }
0x13: {  	p0 =	sne.s32 s21, s0  }
.Ltmp1:
0x14: {  	_ = 	snop;
	(pc) =	sbr.rel @!p0 .LBB2_13-.Ltmp1, $3  }
0x15: {  	_ =	sdelay $0x1  }
0x16: {  	[sflag:s18] =	ssyncset.done $0x0  }
0x17: {  	[sflag:s18] =	ssyncadd.s32 $0xFFFFF000  }
.LBB2_1:
0x18: {  	s0 =	rddreg [dreg:$0x1]  }
0x19: {  	[tilespmem:s7], [sflag:$0x5] =	stream.linear.gather [hbm4b:s0+s7], $0xC380, $0x38;
	[tilespmem:$0x1C700] =	vst v63  }
0x1a: {  	s30 =	rddreg [dreg:$0x2]  }
0x1b: {  	[tilespmem:s11], [sflag:$0x5] =	stream.linear.gather [hbm4b:s30+s7], $0xC380, $0x38;
	[tilespmem:$0x1C700] =	vst v63  }
0x1c: {  	_ = 	snop  }
0x1d: {  	[tilespmem:s12], [sflag:$0x1] =	stream.linear.gather [hbm4b:s8+s7], $0x1000, $0x38;
	[tilespmem:$0x1C700] =	vst v63  }
0x1e: {  	s31 =	rddreg [dreg:$0x5]  }
0x1f: {  	[tilespmem:s13], [sflag:$0x2] =	stream.linear.gather [hbm4b:s31+s7], $0x1000, $0x38;
	[tilespmem:$0x1C700] =	vst v63  }
0x20: {  	_ =	swait.ge [sflag:s14], $0xC380  }
0x21: {  	[sflag:s14] =	ssyncset.done $0x0  }
0x22: {  	[sflag:s14] =	ssyncadd.s32 $0xFFFF3C80  }
0x23: {  	_ =	swait.ge [sflag:s14], $0xC380  }
0x24: {  	[sflag:s14] =	ssyncset.done $0x0  }
0x25: {  	s22 =	simm.s32 $0x0;
	[sflag:s14] =	ssyncadd.s32 $0xFFFF3C80  }
.LBB2_2:
0x26: {  	_ =	swait.ge [sflag:s15], $0x1000  }
0x27: {  	p0 =	seq.s32 s22, $0x0;
	[sflag:s15] =	ssyncset.done $0x0  }
0x28: {  	s0 =	simm.s32 @!p0 $0x3;
	[sflag:s15] =	ssyncadd.s32 $0xFFFFF000  }
0x29: {  	s2 =	simm.s32 $0x0;
	_ =	swait.ge @!p0 [sflag:s0], $0x1000  }
0x2a: {  	s3 =	sand.u32 $0xC00, s2;
	s4 =	sand.u32 $0x380, s2;
	[sflag:s0] =	ssyncset.done @!p0 $0x0  }
0x2b: {  	s24 =	sor.u32 s4, s3;
	[sflag:s0] =	ssyncadd.s32 @!p0 $0xFFFFF000  }
0x2c: {  	s3 =	sand.u32 $0x3, s2;
	v0 =	vld [tilespmem:s24+$0x18750]  }
0x2d: {  	s0 =	sshll.u32 s3, $0xA;
	v3 =	vld [tilespmem:s24+$0x18710]  }
0x2e: {  	s0 =	sadd.s32 $0x0, s0;
	v5 =	vld [tilespmem:s24+$0x18730]  }
0x2f: {  	s4 =	sor.u32 $0x60, s0  }
0x30: {  	v22 =	vld [tilespmem:s4+$0x18700];
	_ =	sdelay $0x1  }
0x31: {  	s25 =	sor.u32 $0x70, s0;
	v1 =	vadd.f32 $1.000000000e+02, v0;
	v4 =	vadd.f32 $1.000000000e+02, v3  }
0x32: {  	v2 =	vld [tilespmem:s25+$0x18700];
	v8 =	vadd.f32 $1.000000000e+02, v5  }
0x33: {  	v7 =	vld [tilespmem:s24+$0x18740];
	v1 =	vmul.f32 $2.499949950e+02, v1;
	v4 =	vmul.f32 $2.499949950e+02, v4  }
0x34: {  	v6 =	vld [tilespmem:s24+$0x18700];
	v8 =	vmul.f32 $2.499949950e+02, v8;
	v10 =	vadd.f32 $1.000000000e+02, v22  }
0x35: {  	v1 =	vmax.f32 v1, $0.0e+00;
	v4 =	vmax.f32 v4, $0.0e+00  }
0x36: {  	v8 =	vmax.f32 v8, $0.0e+00;
	v10 =	vmul.f32 $2.499949950e+02, v10;
	v9 =	vmin.f32 v1, $4.999900000e+04  }
0x37: {  	v1 =	vadd.f32 $1.000000000e+02, v2;
	v13 =	vmin.f32 v4, $4.999900000e+04;
	v14 =	vmin.f32 v8, $4.999900000e+04  }
0x38: {  	v4 =	vadd.f32 $1.000000000e+02, v7;
	v12 =	vtrunc.f32 v9;
	v15 =	vtrunc.f32 v14  }
0x39: {  	v11 =	vadd.f32 $1.000000000e+02, v6;
	v16 =	vtrunc.f32 v13;
	v12 =	vcvt.f32.s32 v12  }
0x3a: {  	v8 =	vld [tilespmem:s24+$0x18720];
	v10 =	vmax.f32 v10, $0.0e+00;
	v1 =	vmul.f32 $2.499949950e+02, v1;
	v4 =	vmul.f32 $2.499949950e+02, v4  }
0x3b: {  	s9 =	simm.s32 $0x20;
	s10 =	simm.s32 $0x400;
	v10 =	vmin.f32 v10, $4.999900000e+04;
	v16 =	vcvt.f32.s32 v16;
	v23 =	vcvt.f32.s32 v15  }
0x3c: {  	s3 =	sand.u32 $0xC00, s10;
	s0 =	sand.u32 $0x380, s9;
	v17 =	vtrunc.f32 v10;
	v1 =	vmax.f32 v1, $0.0e+00;
	v15 =	vcvt.s32.f32 v12  }
0x3d: {  	s26 =	sor.u32 s0, s3;
	v4 =	vmax.f32 v4, $0.0e+00;
	v18 =	vmin.f32 v1, $4.999900000e+04;
	v1 =	vmul.f32 $2.499949950e+02, v11  }
0x3e: {  	v17 =	vcvt.f32.s32 v17;
	v21 =	vcvt.s32.f32 v23;
	v24 =	vmin.f32 v4, $4.999900000e+04;
	v4 =	vld [tilespmem:s26+$0x18750]  }
0x3f: {  	v20 =	vadd.f32 $1.000000000e+02, v8;
	v11 =	vtrunc.f32 v18;
	v25 =	vmax.f32 v1, $0.0e+00;
	v1 =	vld [tilespmem:s26+$0x18710]  }
0x40: {  	vm0 =	vgt.f32 v0, $1.000000000e+02;
	v29 =	vcvt.s32.f32 v16;
	v11 =	vcvt.f32.s32 v11;
	v19 =	vld.idx.msk [tilespmem:v12+s7+$0x0], $0xffff  }
0x41: {  	vm5 =	vgt.f32 v5, $1.000000000e+02;
	v26 =	vtrunc.f32 v24;
	v20 =	vmul.f32 $2.499949950e+02, v20;
	v12 =	vld.idx.msk [tilespmem:v12+s11+$0x0], $0xffff  }
0x42: {  	v14 =	vsub.f32 v14, v21;
	v15 =	vsub.f32 v9, v15;
	v21 =	vcvt.f32.s32 v26;
	v26 =	vld.idx.msk [tilespmem:v16+s7+$0x0], $0xffff  }
0x43: {  	v34 =	vmin.f32 v25, $4.999900000e+04;
	v25 =	vsub.f32 v13, v29;
	v29 =	vld.idx.msk [tilespmem:v23+s11+$0x0], $0xffff;
	v9 =	vmax.f32 v20, $0.0e+00  }
0x44: {  	vm2 =	vgt.f32 v6, $1.000000000e+02;
	vm3 =	vgt.f32 v3, $1.000000000e+02;
	v13 =	vld [tilespmem:s26+$0x18730];
	v28 =	vmin.f32 v9, $4.999900000e+04  }
0x45: {  	vm4 =	vgt.f32 v7, $1.000000000e+02;
	v20 =	vcvt.s32.f32 v17;
	v9 =	vld [tilespmem:s26+$0x18700];
	v32 =	vtrunc.f32 v28  }
0x46: {  	s23 =	simm.s32 $0x1;
	vm1 =	vgt.f32 v2, $1.000000000e+02;
	v30 =	vcvt.s32.f32 v21;
	v32 =	vcvt.f32.s32 v32;
	v31 =	vld.idx.msk [tilespmem:v11+s11+$0x0], $0xffff  }
0x47: {  	s0 =	sand.u32 $0x3, s23;
	v33 =	vtrunc.f32 v34;
	v35 =	vld.idx.msk [tilespmem:v17+s11+$0x0], $0xffff;
	v20 =	vsub.f32 v10, v20;
	v10 =	vcvt.s32.f32 v11  }
0x48: {  	s0 =	sshll.u32 s0, $0xA;
	v33 =	vcvt.f32.s32 v33;
	v30 =	vsub.f32 v24, v30;
	v27 =	vld.idx.msk [tilespmem:v11+s7+$0x0], $0xffff;
	v24 =	vcvt.s32.f32 v32  }
0x49: {  	s0 =	sadd.s32 $0x20, s0;
	vm7 =	vgt.f32 v22, $1.000000000e+02;
	vm6 =	vgt.f32 v8, $1.000000000e+02;
	v17 =	vld.idx.msk [tilespmem:v17+s7+$0x0], $0xffff;
	v18 =	vsub.f32 v18, v10  }
0x4a: {  	s28 =	sor.u32 $0x70, s0;
	v62 =	vcvt.s32.f32 v33;
	v11 =	vadd.f32 $1.000000000e+02, v4;
	v38 =	vsub.f32 v28, v24;
	v28 =	vld.idx.msk [tilespmem:v16+s11+$0x0], $0xffff  }
0x4b: {  	v10 =	vld [tilespmem:s28+$0x18700];
	v15 =	vmul.f32 v15, v12;
	v16 =	vadd.f32 $1.000000000e+02, v1;
	v18 =	vmul.f32 v18, v31  }
0x4c: {  	v20 =	vmul.f32 v20, v35;
	v37 =	vadd.f32 $1.000000000e+02, v9;
	v24 =	vmul.f32 v14, v29  }
0x4d: {  	s29 =	sor.u32 $0x60, s0;
	v12 =	vld [tilespmem:s26+$0x18740];
	v29 =	vadd.f32 $1.000000000e+02, v13;
	v14 =	vadd.f32 v18, v27;
	v27 =	vmul.f32 $2.499949950e+02, v16  }
0x4e: {  	v36 =	vmul.f32 $2.499949950e+02, v11;
	v11 =	vld [tilespmem:s29+$0x18700];
	v40 =	vadd.f32 v20, v17;
	v16 =	vadd.f32 v15, v19  }
0x4f: {  	v61 =	vld.idx.msk [tilespmem:v21+s7+$0x0], $0xffff;
	v25 =	vmul.f32 v25, v28;
	v15 =	vmax.f32 v27, $0.0e+00;
	v27 =	vmul.f32 $2.499949950e+02, v29  }
0x50: {  	v63 =	vmul.f32 $2.499949950e+02, v37;
	v31 =	vmax.f32 v36, $0.0e+00;
	v60 =	vadd.f32 $1.000000000e+02, v10;
	v19 =	vld.idx.msk [tilespmem:v21+s11+$0x0], $0xffff  }
0x51: {  	v18 =	vmin.f32 v31, $4.999900000e+04;
	v21 =	vadd.f32 v25, v26;
	v25 =	vmax.f32 v27, $0.0e+00;
	v27 =	vld.idx.msk [tilespmem:v32+s11+$0x0], $0xffff  }
0x52: {  	v39 =	vadd.f32 $1.000000000e+02, v12;
	v17 =	vmul.f32 $2.499949950e+02, v60;
	v31 =	vtrunc.f32 v18  }
0x53: {  	v37 =	vsub.f32 v34, v62;
	v28 =	vadd.f32 $1.000000000e+02, v11;
	v29 =	vcvt.f32.s32 v31  }
0x54: {  	v35 =	vld.idx.msk [tilespmem:v33+s11+$0x0], $0xffff;
	v31 =	vmul.f32 $2.499949950e+02, v39;
	v17 =	vmax.f32 v17, $0.0e+00;
	v15 =	vmin.f32 v15, $4.999900000e+04  }
0x55: {  	v26 =	vmul.f32 $2.499949950e+02, v28;
	v17 =	vmin.f32 v17, $4.999900000e+04;
	v19 =	vmul.f32 v30, v19;
	v30 =	vld.idx.msk [tilespmem:v32+s7+$0x0], $0xffff  }
0x56: {  	v34 =	vcvt.s32.f32 v29;
	v28 =	vmin.f32 v25, $4.999900000e+04;
	v39 =	vmul.f32 v38, v27;
	v38 =	vld.idx.msk [tilespmem:v23+s7+$0x0], $0xffff  }
0x57: {  	v20 =	vmax.f32 v26, $0.0e+00;
	v26 =	vtrunc.f32 v15;
	v36 =	vtrunc.f32 v28;
	v27 =	vld [tilespmem:s26+$0x18720]  }
0x58: {  	v25 =	vadd.f32 v19, v61;
	v19 =	vmin.f32 v20, $4.999900000e+04;
	v20 =	vcvt.f32.s32 v26  }
0x59: {  	s30 =	simm.s32 $0x80;
	s31 =	simm.s32 $0x40;
	v33 =	vld.idx.msk [tilespmem:v33+s7+$0x0], $0xffff;
	v22 =	vsel vm7, v22, v40;
	v26 =	vtrunc.f32 v19;
	v23 =	vtrunc.f32 v17  }
0x5a: {  	s23 =	sshll.u32 s22, $0xD;
	s3 =	simm.s32 $0x2;
	s0 =	simm.s32 $0x800;
	[tilespmem:s4+$0x1A700] =	vst v22;
	v32 =	vmax.f32 v63, $0.0e+00;
	v26 =	vcvt.f32.s32 v26;
	v23 =	vcvt.f32.s32 v23  }
.LBB2_3:
0x5b: {  	s2 =	sand.u32 $0x3, s3;
	s4 =	sand.u32 $0xC00, s0;
	s9 =	sand.u32 $0x380, s31;
	v22 =	vcvt.f32.s32 v36;
	v36 =	vld.idx.msk [tilespmem:v29+s7+$0x0], $0xffff;
	v30 =	vadd.f32 v39, v30;
	v24 =	vadd.f32 v24, v38  }
0x5c: {  	s30 =	sadd.s32 $0x80, s30;
	v31 =	vmax.f32 v31, $0.0e+00;
	v35 =	vmul.f32 v37, v35;
	s2 =	sshll.u32 s2, $0xA;
	s4 =	sor.u32 s9, s4;
	v38 =	vadd.f32 $1.000000000e+02, v27;
	v29 =	vld.idx.msk [tilespmem:v29+s11+$0x0], $0xffff  }
0x5d: {  	p1 =	slt.u32 s30, $0xF80;
	v31 =	vmin.f32 v31, $4.999900000e+04;
	s9 =	sadd.s32 s2, s31;
	v37 =	vld [tilespmem:s4+$0x18710];
	v39 =	vcvt.s32.f32 v22;
	v24 =	vsel vm5, v5, v24;
	v5 =	vmovc v13;
	s2 =	smov.u32 s29  }
0x5e: {  	v33 =	vadd.f32 v35, v33;
	v30 =	vsel vm6, v8, v30;
	v8 =	vmovc v27;
	v40 =	vld [tilespmem:s4+$0x18750];
	s29 =	sor.u32 $0x60, s9;
	s9 =	sor.u32 $0x70, s9;
	v13 =	vmul.f32 $2.499949950e+02, v38;
	[tilespmem:s24+$0x1A730] =	vst v24  }
0x5f: {  	v18 =	vsub.f32 v18, v34;
	v27 =	vld.idx.msk [tilespmem:v20+s7+$0x0], $0xffff;
	v24 =	vsub.f32 v28, v39;
	v28 =	vtrunc.f32 v31  }
0x60: {  	v21 =	vsel vm3, v3, v21;
	v39 =	vsel vm2, v6, v33;
	v34 =	vmax.f32 v13, $0.0e+00;
	v35 =	vld.idx.msk [tilespmem:v23+s7+$0x0], $0xffff;
	[tilespmem:s24+$0x1A720] =	vst v30  }
0x61: {  	v3 =	vmovc v1;
	v38 =	vsel vm0, v0, v16;
	vm0 =	vgt.f32 v4, $1.000000000e+02;
	v0 =	vmovc v4;
	v28 =	vcvt.f32.s32 v28;
	v30 =	vld [tilespmem:s4+$0x18700];
	[tilespmem:s24+$0x1A700] =	vst v39  }
0x62: {  	v7 =	vsel vm4, v7, v25;
	v33 =	vcvt.s32.f32 v26;
	v6 =	vmovc v9;
	v16 =	vmin.f32 v34, $4.999900000e+04;
	v13 =	vld [tilespmem:s4+$0x18730];
	[tilespmem:s24+$0x1A750] =	vst v38;
	v1 =	vmovc v37  }
0x63: {  	v38 =	vcvt.s32.f32 v20;
	v25 =	vcvt.s32.f32 v28;
	v37 =	vsel vm1, v2, v14;
	v34 =	vld.idx.msk [tilespmem:v23+s11+$0x0], $0xffff;
	[tilespmem:s24+$0x1A710] =	vst v21;
	v4 =	vmovc v40  }
0x64: {  	v19 =	vsub.f32 v19, v33;
	v14 =	vtrunc.f32 v16;
	v2 =	vmovc v10;
	v23 =	vcvt.s32.f32 v23;
	v21 =	vld.idx.msk [tilespmem:v22+s11+$0x0], $0xffff;
	[tilespmem:s25+$0x1A700] =	vst v37;
	s25 =	smov.u32 s28;
	s28 =	smov.u32 s9  }
0x65: {  	v32 =	vmin.f32 v32, $4.999900000e+04;
	v33 =	vcvt.f32.s32 v14;
	v15 =	vsub.f32 v15, v38;
	v20 =	vld.idx.msk [tilespmem:v20+s11+$0x0], $0xffff;
	[tilespmem:s24+$0x1A740] =	vst v7;
	v7 =	vmovc v12;
	s24 =	smov.u32 s26;
	s26 =	smov.u32 s4  }
0x66: {  	v10 =	vadd.f32 $1.000000000e+02, v4;
	v25 =	vsub.f32 v31, v25;
	v12 =	vtrunc.f32 v32;
	v40 =	vld [tilespmem:s29+$0x18700];
	v9 =	vmovc v30  }
0x67: {  	vm5 =	vgt.f32 v5, $1.000000000e+02;
	v14 =	vcvt.s32.f32 v33;
	v17 =	vsub.f32 v17, v23;
	v37 =	vld.idx.msk [tilespmem:v26+s7+$0x0], $0xffff  }
0x68: {  	vm3 =	vgt.f32 v3, $1.000000000e+02;
	vm2 =	vgt.f32 v6, $1.000000000e+02;
	v23 =	vcvt.f32.s32 v12;
	v26 =	vld.idx.msk [tilespmem:v26+s11+$0x0], $0xffff  }
0x69: {  	v30 =	vmul.f32 $2.499949950e+02, v10;
	v39 =	vsub.f32 v16, v14;
	v14 =	vmul.f32 v17, v34;
	v10 =	vld [tilespmem:s28+$0x18700]  }
0x6a: {  	vm6 =	vgt.f32 v8, $1.000000000e+02;
	vm1 =	vgt.f32 v2, $1.000000000e+02;
	v16 =	vadd.f32 $1.000000000e+02, v1;
	v12 =	vld [tilespmem:s26+$0x18740]  }
0x6b: {  	v18 =	vmul.f32 v18, v29;
	v17 =	vmax.f32 v30, $0.0e+00;
	v24 =	vmul.f32 v24, v21;
	v34 =	vld.idx.msk [tilespmem:v28+s11+$0x0], $0xffff  }
0x6c: {  	vm4 =	vgt.f32 v7, $1.000000000e+02;
	v21 =	vadd.f32 $1.000000000e+02, v13;
	v14 =	vadd.f32 v14, v35;
	v41 =	vld.idx.msk [tilespmem:v28+s7+$0x0], $0xffff  }
0x6d: {  	vm7 =	vgt.f32 v11, $1.000000000e+02;
	v28 =	vmul.f32 $2.499949950e+02, v16;
	v16 =	vadd.f32 v18, v36;
	v30 =	vld.idx.msk [tilespmem:v33+s7+$0x0], $0xffff  }
0x6e: {  	v18 =	vmin.f32 v17, $4.999900000e+04;
	v19 =	vmul.f32 v19, v26;
	v17 =	vadd.f32 $1.000000000e+02, v10  }
0x6f: {  	v20 =	vmul.f32 v15, v20;
	v26 =	vadd.f32 $1.000000000e+02, v9;
	v29 =	vtrunc.f32 v18  }
0x70: {  	v31 =	vadd.f32 $1.000000000e+02, v40;
	v15 =	vmax.f32 v28, $0.0e+00;
	v28 =	vmul.f32 $2.499949950e+02, v21  }
0x71: {  	v21 =	vadd.f32 v20, v27;
	v15 =	vmin.f32 v15, $4.999900000e+04;
	v35 =	vadd.f32 $1.000000000e+02, v12  }
0x72: {  	v29 =	vcvt.f32.s32 v29;
	v27 =	vmul.f32 $2.499949950e+02, v31;
	v20 =	vmax.f32 v28, $0.0e+00;
	v42 =	vld.idx.msk [tilespmem:v33+s11+$0x0], $0xffff  }
0x73: {  	v43 =	vadd.f32 v19, v37;
	v25 =	vmul.f32 v25, v34;
	v31 =	vmul.f32 $2.499949950e+02, v35;
	v35 =	vld.idx.msk [tilespmem:v23+s11+$0x0], $0xffff  }
0x74: {  	v17 =	vmul.f32 $2.499949950e+02, v17;
	v34 =	vcvt.s32.f32 v23;
	v28 =	vmin.f32 v20, $4.999900000e+04;
	v33 =	vld.idx.msk [tilespmem:v23+s7+$0x0], $0xffff  }
0x75: {  	v19 =	vmax.f32 v27, $0.0e+00;
	v36 =	vtrunc.f32 v28;
	v25 =	vadd.f32 v25, v41;
	v38 =	vld.idx.msk [tilespmem:v22+s7+$0x0], $0xffff  }
.Ltmp2:
0x76: {  	v20 =	vtrunc.f32 v15;
	v19 =	vmin.f32 v19, $4.999900000e+04;
	v17 =	vmax.f32 v17, $0.0e+00;
	(pc) =	sbr.rel @p1 .LBB2_3-.Ltmp2, $4  }
0x77: {  	v20 =	vcvt.f32.s32 v20;
	v17 =	vmin.f32 v17, $4.999900000e+04;
	v22 =	vtrunc.f32 v19;
	v27 =	vld [tilespmem:s26+$0x18720]  }
0x78: {  	v37 =	vsub.f32 v32, v34;
	v23 =	vmul.f32 $2.499949950e+02, v26;
	v39 =	vmul.f32 v39, v42  }
0x79: {  	v34 =	vcvt.s32.f32 v29;
	v41 =	vtrunc.f32 v17;
	v42 =	vsel vm7, v11, v43;
	v11 =	vmovc v40  }
0x7a: {  	s3 =	sadd.s32 $0x1, s3;
	s0 =	sadd.s32 $0x400, s0;
	s31 =	sadd.s32 $0x20, s31;
	v32 =	vmax.f32 v23, $0.0e+00;
	v26 =	vcvt.f32.s32 v22;
	v23 =	vcvt.f32.s32 v41;
	[tilespmem:s2+$0x1A700] =	vst v42  }
0x7b: {  	_ =	sdelay $0x1  }
0x7c: {  	v36 =	vcvt.f32.s32 v36;
	v24 =	vadd.f32 v24, v38;
	v35 =	vmul.f32 v37, v35  }
0x7d: {  	v32 =	vmin.f32 v32, $4.999900000e+04;
	v30 =	vadd.f32 v39, v30;
	v31 =	vmax.f32 v31, $0.0e+00  }
0x7e: {  	v38 =	vld.idx.msk [tilespmem:v29+s7+$0x0], $0xffff;
	v18 =	vsub.f32 v18, v34;
	v3 =	vsel vm3, v3, v21;
	v22 =	vadd.f32 $1.000000000e+02, v27  }
0x7f: {  	v29 =	vld.idx.msk [tilespmem:v29+s11+$0x0], $0xffff;
	vm8 =	vgt.f32 v4, $1.000000000e+02;
	v0 =	vsel vm0, v0, v16;
	v63 =	vsel vm4, v7, v25  }
0x80: {  	v40 =	vld.idx.msk [tilespmem:v20+s7+$0x0], $0xffff;
	v25 =	vcvt.s32.f32 v20;
	v2 =	vsel vm1, v2, v14;
	v22 =	vmul.f32 $2.499949950e+02, v22  }
0x81: {  	vm9 =	vgt.f32 v13, $1.000000000e+02;
	v55 =	vtrunc.f32 v32;
	v31 =	vmin.f32 v31, $4.999900000e+04;
	v59 =	vld.idx.msk [tilespmem:v26+s7+$0x0], $0xffff  }
0x82: {  	v61 =	vcvt.s32.f32 v26;
	v62 =	vld.idx.msk [tilespmem:v26+s11+$0x0], $0xffff;
	v39 =	vcvt.f32.s32 v55;
	v22 =	vmax.f32 v22, $0.0e+00  }
0x83: {  	v51 =	vld.idx.msk [tilespmem:v23+s11+$0x0], $0xffff;
	v56 =	vcvt.s32.f32 v36;
	v58 =	vtrunc.f32 v31;
	v22 =	vmin.f32 v22, $4.999900000e+04  }
0x84: {  	[tilespmem:s24+$0x1A750] =	vst v0;
	v5 =	vsel vm5, v5, v24;
	v55 =	vld.idx.msk [tilespmem:v23+s7+$0x0], $0xffff;
	v60 =	vcvt.f32.s32 v58;
	v54 =	vtrunc.f32 v22  }
0x85: {  	[tilespmem:s24+$0x1A710] =	vst v3;
	v33 =	vadd.f32 v35, v33;
	v24 =	vsub.f32 v28, v56;
	v28 =	vld.idx.msk [tilespmem:v20+s11+$0x0], $0xffff;
	v37 =	vcvt.f32.s32 v54  }
0x86: {  	vm12 =	vgt.f32 v11, $1.000000000e+02;
	vm13 =	vgt.f32 v1, $1.000000000e+02;
	v44 =	vcvt.s32.f32 v23;
	[tilespmem:s25+$0x1A700] =	vst v2;
	v57 =	vld.idx.msk [tilespmem:v36+s11+$0x0], $0xffff  }
0x87: {  	vm14 =	vgt.f32 v10, $1.000000000e+02;
	[tilespmem:s24+$0x1A740] =	vst v63;
	v42 =	vsub.f32 v19, v61;
	v6 =	vsel vm2, v6, v33;
	v46 =	vld.idx.msk [tilespmem:v36+s7+$0x0], $0xffff  }
0x88: {  	v8 =	vsel vm6, v8, v30;
	v49 =	vcvt.s32.f32 v39;
	[tilespmem:s24+$0x1A700] =	vst v6;
	v6 =	vsub.f32 v17, v44;
	v43 =	vld.idx.msk [tilespmem:v39+s11+$0x0], $0xffff  }
0x89: {  	v7 =	vsub.f32 v15, v25;
	v18 =	vmul.f32 v18, v29;
	v14 =	vmul.f32 v42, v62;
	v50 =	vld.idx.msk [tilespmem:v39+s7+$0x0], $0xffff  }
0x8a: {  	[tilespmem:s24+$0x1A730] =	vst v5;
	v41 =	vcvt.s32.f32 v60;
	v53 =	vsub.f32 v32, v49;
	v6 =	vmul.f32 v6, v51;
	v54 =	vld.idx.msk [tilespmem:v60+s11+$0x0], $0xffff  }
0x8b: {  	v58 =	vadd.f32 v18, v38;
	v14 =	vadd.f32 v14, v59;
	v7 =	vmul.f32 v7, v28;
	v35 =	vld.idx.msk [tilespmem:v37+s11+$0x0], $0xffff  }
0x8c: {  	[tilespmem:s24+$0x1A720] =	vst v8;
	v47 =	vsub.f32 v31, v41;
	v45 =	vcvt.s32.f32 v37;
	v52 =	vmul.f32 v24, v57;
	v57 =	vld.idx.msk [tilespmem:v60+s7+$0x0], $0xffff  }
0x8d: {  	v61 =	vadd.f32 v6, v55;
	v62 =	vsel vm8, v4, v58;
	v11 =	vsel vm12, v11, v14;
	v48 =	vld.idx.msk [tilespmem:v37+s7+$0x0], $0xffff  }
0x8e: {  	[tilespmem:s26+$0x1A750] =	vst v62;
	v59 =	vadd.f32 v7, v40;
	v15 =	vsub.f32 v22, v45;
	v56 =	vmul.f32 v53, v43  }
0x8f: {  	[tilespmem:s29+$0x1A700] =	vst v11;
	v63 =	vsel vm14, v10, v61;
	v3 =	vadd.f32 v52, v46;
	v0 =	vmul.f32 v47, v54  }
0x90: {  	[tilespmem:s28+$0x1A700] =	vst v63;
	v1 =	vsel vm13, v1, v59;
	v5 =	vadd.f32 v56, v50;
	v15 =	vmul.f32 v15, v35  }
0x91: {  	vm10 =	vgt.f32 v9, $1.000000000e+02;
	p1 =	sne.s32 s22, $0x7F;
	[tilespmem:s26+$0x1A710] =	vst v1;
	v3 =	vsel vm9, v13, v3;
	v0 =	vadd.f32 v0, v57  }
.Ltmp3:
0x92: {  	s0 =	sand.u32 $0xFE000, s23;
	vm15 =	vgt.f32 v12, $1.000000000e+02;
	[tilespmem:s26+$0x1A730] =	vst v3;
	v60 =	vsel vm10, v9, v5;
	v8 =	vadd.f32 v15, v48;
	(pc) =	sbr.rel @p1 .LBB2_6-.Ltmp3, $4  }
0x93: {  	vm11 =	vgt.f32 v27, $1.000000000e+02;
	s0 =	sor.u32 s6, s0;
	[tilespmem:s26+$0x1A700] =	vst v60;
	v0 =	vsel vm15, v12, v0  }
0x94: {  	s24 =	sshrl.u32 s0, $0x3;
	[tilespmem:s26+$0x1A740] =	vst v0;
	v8 =	vsel vm11, v27, v8  }
0x95: {  	s0 =	sadd.s32 s5, s24;
	[tilespmem:s26+$0x1A720] =	vst v8  }
0x96: {  	[hbm4b:s0+s7] =	stream.linear.scatter [tilespmem:s16], [sflag:$0x3], $0x1000, $0x38;
	[tilespmem:$0x1C700] =	vst v63  }
.Ltmp4:
0x97: {  	(pc) =	sbr.rel .LBB2_7-.Ltmp4, $4  }
0x98: {  	_ = 	snop  }
0x99: {  	_ =	swait.ge [sflag:s17], $0x1000  }
0x9a: {  	[sflag:s17] =	ssyncset.done $0x0  }
0x9b: {  	[sflag:s17] =	ssyncadd.s32 $0xFFFFF000  }
.LBB2_6:
0x9c: {  	s0 =	sadd.s32 $0x2000, s23  }
0x9d: {  	s2 =	sand.u32 $0x1F8000, s0  }
0x9e: {  	s0 =	sand.u32 $0x6000, s0;
	s2 =	sadd.s32 s2, s6  }
0x9f: {  	s0 =	sor.u32 s0, s2  }
0xa0: {  	s0 =	sshrl.u32 s0, $0x3  }
.Ltmp5:
0xa1: {  	s0 =	sadd.s32 s1, s0;
	(pc) =	sbr.rel @p0 .LBB2_8-.Ltmp5, $4  }
0xa2: {  	[tilespmem:s12], [sflag:$0x1] =	stream.linear.gather [hbm4b:s0+s7], $0x1000, $0x38;
	[tilespmem:$0x1C700] =	vst v63  }
0xa3: {  	_ =	swait.ge [sflag:s17], $0x1000  }
0xa4: {  	[sflag:s17] =	ssyncset.done $0x0  }
0xa5: {  	[sflag:s17] =	ssyncadd.s32 $0xFFFFF000  }
.LBB2_7:
0xa6: {  	_ =	swait.ge [sflag:s18], $0x1000  }
0xa7: {  	[sflag:s18] =	ssyncset.done $0x0  }
0xa8: {  	[sflag:s18] =	ssyncadd.s32 $0xFFFFF000  }
.LBB2_8:
0xa9: {  	s0 =	simm.s32 $0x0  }
0xaa: {  	s2 =	sand.u32 $0xC00, s0;
	s3 =	sand.u32 $0x380, s0  }
0xab: {  	s25 =	sor.u32 s3, s2  }
0xac: {  	v0 =	vld [tilespmem:s25+$0x19750]  }
0xad: {  	s0 =	sand.u32 $0x3, s0;
	v3 =	vld [tilespmem:s25+$0x19710]  }
0xae: {  	s0 =	sshll.u32 s0, $0xA;
	v5 =	vld [tilespmem:s25+$0x19730]  }
0xaf: {  	s0 =	sadd.s32 $0x0, s0  }
0xb0: {  	s4 =	sor.u32 $0x60, s0  }
0xb1: {  	v22 =	vld [tilespmem:s4+$0x19700]  }
0xb2: {  	s26 =	sor.u32 $0x70, s0;
	v1 =	vadd.f32 $1.000000000e+02, v0  }
0xb3: {  	v2 =	vld [tilespmem:s26+$0x19700];
	v4 =	vadd.f32 $1.000000000e+02, v3;
	v8 =	vadd.f32 $1.000000000e+02, v5  }
0xb4: {  	v1 =	vmul.f32 $2.499949950e+02, v1  }
0xb5: {  	v7 =	vld [tilespmem:s25+$0x19740];
	v4 =	vmul.f32 $2.499949950e+02, v4;
	v8 =	vmul.f32 $2.499949950e+02, v8  }
0xb6: {  	v10 =	vadd.f32 $1.000000000e+02, v22  }
0xb7: {  	v1 =	vmax.f32 v1, $0.0e+00;
	v4 =	vmax.f32 v4, $0.0e+00;
	v8 =	vmax.f32 v8, $0.0e+00  }
0xb8: {  	v6 =	vld [tilespmem:s25+$0x19700];
	v10 =	vmul.f32 $2.499949950e+02, v10;
	v9 =	vmin.f32 v1, $4.999900000e+04;
	v1 =	vadd.f32 $1.000000000e+02, v2  }
0xb9: {  	v13 =	vmin.f32 v4, $4.999900000e+04;
	v14 =	vmin.f32 v8, $4.999900000e+04;
	v12 =	vtrunc.f32 v9  }
0xba: {  	v4 =	vadd.f32 $1.000000000e+02, v7;
	v15 =	vtrunc.f32 v14;
	v16 =	vtrunc.f32 v13  }
0xbb: {  	v10 =	vmax.f32 v10, $0.0e+00;
	v12 =	vcvt.f32.s32 v12;
	v1 =	vmul.f32 $2.499949950e+02, v1  }
0xbc: {  	s9 =	simm.s32 $0x400;
	s3 =	simm.s32 $0x20;
	v8 =	vld [tilespmem:s25+$0x19720];
	v4 =	vmul.f32 $2.499949950e+02, v4;
	v10 =	vmin.f32 v10, $4.999900000e+04;
	v16 =	vcvt.f32.s32 v16  }
0xbd: {  	s2 =	sand.u32 $0xC00, s9;
	s0 =	sand.u32 $0x380, s3;
	v11 =	vadd.f32 $1.000000000e+02, v6;
	v23 =	vcvt.f32.s32 v15;
	v17 =	vtrunc.f32 v10  }
0xbe: {  	s28 =	sor.u32 s0, s2;
	v1 =	vmax.f32 v1, $0.0e+00;
	v4 =	vmax.f32 v4, $0.0e+00;
	v29 =	vcvt.s32.f32 v16  }
0xbf: {  	v18 =	vmin.f32 v1, $4.999900000e+04;
	v1 =	vmul.f32 $2.499949950e+02, v11;
	v24 =	vmin.f32 v4, $4.999900000e+04;
	v4 =	vld [tilespmem:s28+$0x19750]  }
0xc0: {  	v15 =	vcvt.s32.f32 v12;
	v17 =	vcvt.f32.s32 v17;
	v29 =	vsub.f32 v13, v29;
	v13 =	vld [tilespmem:s28+$0x19730]  }
0xc1: {  	v21 =	vcvt.s32.f32 v23;
	v20 =	vadd.f32 $1.000000000e+02, v8;
	v25 =	vmax.f32 v1, $0.0e+00;
	v1 =	vld [tilespmem:s28+$0x19710]  }
0xc2: {  	v11 =	vtrunc.f32 v18;
	v26 =	vtrunc.f32 v24;
	v19 =	vld.idx.msk [tilespmem:v12+s7+$0x0], $0xffff  }
0xc3: {  	vm0 =	vgt.f32 v0, $1.000000000e+02;
	v11 =	vcvt.f32.s32 v11;
	v20 =	vmul.f32 $2.499949950e+02, v20;
	v12 =	vld.idx.msk [tilespmem:v12+s11+$0x0], $0xffff  }
0xc4: {  	vm5 =	vgt.f32 v5, $1.000000000e+02;
	v14 =	vsub.f32 v14, v21;
	v21 =	vcvt.f32.s32 v26;
	v26 =	vld.idx.msk [tilespmem:v16+s7+$0x0], $0xffff  }
0xc5: {  	vm2 =	vgt.f32 v6, $1.000000000e+02;
	v15 =	vsub.f32 v9, v15;
	v33 =	vld.idx.msk [tilespmem:v23+s11+$0x0], $0xffff;
	v9 =	vmax.f32 v20, $0.0e+00  }
0xc6: {  	s10 =	simm.s32 $0x1;
	vm3 =	vgt.f32 v3, $1.000000000e+02;
	vm4 =	vgt.f32 v7, $1.000000000e+02;
	v28 =	vmin.f32 v9, $4.999900000e+04;
	v9 =	vld [tilespmem:s28+$0x19700]  }
0xc7: {  	s0 =	sand.u32 $0x3, s10;
	vm1 =	vgt.f32 v2, $1.000000000e+02;
	vm7 =	vgt.f32 v22, $1.000000000e+02;
	v20 =	vcvt.s32.f32 v17;
	v35 =	vld.idx.msk [tilespmem:v17+s11+$0x0], $0xffff  }
0xc8: {  	s0 =	sshll.u32 s0, $0xA;
	vm6 =	vgt.f32 v8, $1.000000000e+02;
	v25 =	vmin.f32 v25, $4.999900000e+04;
	v30 =	vcvt.s32.f32 v21;
	v17 =	vld.idx.msk [tilespmem:v17+s7+$0x0], $0xffff  }
0xc9: {  	s0 =	sadd.s32 $0x20, s0;
	v32 =	vtrunc.f32 v28;
	v20 =	vsub.f32 v10, v20;
	v10 =	vcvt.s32.f32 v11;
	v27 =	vld.idx.msk [tilespmem:v11+s7+$0x0], $0xffff  }
0xca: {  	s29 =	sor.u32 $0x70, s0;
	v34 =	vtrunc.f32 v25;
	v30 =	vsub.f32 v24, v30;
	v32 =	vcvt.f32.s32 v32;
	v31 =	vld.idx.msk [tilespmem:v11+s11+$0x0], $0xffff  }
0xcb: {  	v34 =	vcvt.f32.s32 v34;
	v11 =	vadd.f32 $1.000000000e+02, v4;
	v18 =	vsub.f32 v18, v10;
	v10 =	vld [tilespmem:s29+$0x19700]  }
0xcc: {  	s30 =	sor.u32 $0x60, s0;
	v58 =	vadd.f32 $1.000000000e+02, v13;
	v15 =	vmul.f32 v15, v12;
	v12 =	vld [tilespmem:s28+$0x19740];
	v24 =	vcvt.s32.f32 v32  }
0xcd: {  	v36 =	vmul.f32 $2.499949950e+02, v11;
	v11 =	vld [tilespmem:s30+$0x19700];
	v20 =	vmul.f32 v20, v35;
	v37 =	vadd.f32 $1.000000000e+02, v9  }
0xce: {  	v62 =	vcvt.s32.f32 v34;
	v38 =	vsub.f32 v28, v24;
	v28 =	vld.idx.msk [tilespmem:v16+s11+$0x0], $0xffff;
	v16 =	vadd.f32 $1.000000000e+02, v1  }
0xcf: {  	v24 =	vmul.f32 v14, v33;
	v41 =	vadd.f32 v20, v17;
	v18 =	vmul.f32 v18, v31  }
0xd0: {  	v63 =	vmul.f32 $2.499949950e+02, v37;
	v31 =	vmax.f32 v36, $0.0e+00;
	v59 =	vadd.f32 $1.000000000e+02, v10  }
0xd1: {  	v39 =	vadd.f32 $1.000000000e+02, v12;
	v40 =	vld.idx.msk [tilespmem:v32+s11+$0x0], $0xffff;
	v14 =	vadd.f32 v18, v27;
	v27 =	vmul.f32 $2.499949950e+02, v16  }
0xd2: {  	v16 =	vadd.f32 v15, v19;
	v19 =	vld.idx.msk [tilespmem:v21+s11+$0x0], $0xffff;
	v18 =	vmin.f32 v31, $4.999900000e+04;
	v17 =	vmul.f32 $2.499949950e+02, v59  }
0xd3: {  	v61 =	vadd.f32 $1.000000000e+02, v11;
	v31 =	vtrunc.f32 v18;
	v28 =	vmul.f32 v29, v28  }
0xd4: {  	v60 =	vld.idx.msk [tilespmem:v21+s7+$0x0], $0xffff;
	v15 =	vmax.f32 v27, $0.0e+00;
	v27 =	vmul.f32 $2.499949950e+02, v58;
	v29 =	vcvt.f32.s32 v31  }
0xd5: {  	v31 =	vmul.f32 $2.499949950e+02, v39;
	v17 =	vmax.f32 v17, $0.0e+00;
	v15 =	vmin.f32 v15, $4.999900000e+04  }
0xd6: {  	v35 =	vld.idx.msk [tilespmem:v34+s11+$0x0], $0xffff;
	v21 =	vadd.f32 v28, v26;
	v26 =	vmax.f32 v27, $0.0e+00;
	v27 =	vmul.f32 $2.499949950e+02, v61  }
0xd7: {  	v17 =	vmin.f32 v17, $4.999900000e+04;
	v39 =	vmul.f32 v38, v40;
	v38 =	vld.idx.msk [tilespmem:v23+s7+$0x0], $0xffff;
	v19 =	vmul.f32 v30, v19  }
0xd8: {  	v28 =	vmin.f32 v26, $4.999900000e+04;
	v30 =	vld.idx.msk [tilespmem:v32+s7+$0x0], $0xffff;
	v20 =	vmax.f32 v27, $0.0e+00;
	v27 =	vtrunc.f32 v15  }
0xd9: {  	v26 =	vadd.f32 v19, v60;
	v19 =	vmin.f32 v20, $4.999900000e+04;
	v20 =	vcvt.f32.s32 v27;
	v27 =	vld [tilespmem:s28+$0x19720]  }
0xda: {  	v33 =	vld.idx.msk [tilespmem:v34+s7+$0x0], $0xffff;
	v37 =	vsub.f32 v25, v62;
	v34 =	vcvt.s32.f32 v29;
	v23 =	vtrunc.f32 v17  }
0xdb: {  	s31 =	simm.s32 $0x80;
	v22 =	vsel vm7, v22, v41;
	v23 =	vcvt.f32.s32 v23;
	v42 =	vtrunc.f32 v19  }
0xdc: {  	s3 =	simm.s32 $0x40;
	s2 =	simm.s32 $0x800;
	s0 =	simm.s32 $0x2;
	[tilespmem:s4+$0x1B700] =	vst v22;
	v32 =	vmax.f32 v63, $0.0e+00;
	v36 =	vtrunc.f32 v28;
	v25 =	vcvt.f32.s32 v42  }
.LBB2_9:
0xdd: {  	s4 =	sand.u32 $0x3, s0;
	s9 =	sand.u32 $0xC00, s2;
	s10 =	sand.u32 $0x380, s3;
	v22 =	vcvt.f32.s32 v36;
	v36 =	vld.idx.msk [tilespmem:v29+s7+$0x0], $0xffff;
	v30 =	vadd.f32 v39, v30;
	v24 =	vadd.f32 v24, v38  }
0xde: {  	s31 =	sadd.s32 $0x80, s31;
	v31 =	vmax.f32 v31, $0.0e+00;
	v35 =	vmul.f32 v37, v35;
	s4 =	sshll.u32 s4, $0xA;
	s9 =	sor.u32 s10, s9;
	v38 =	vadd.f32 $1.000000000e+02, v27;
	v29 =	vld.idx.msk [tilespmem:v29+s11+$0x0], $0xffff  }
0xdf: {  	p0 =	slt.u32 s31, $0xF80;
	v31 =	vmin.f32 v31, $4.999900000e+04;
	s10 =	sadd.s32 s4, s3;
	v37 =	vld [tilespmem:s9+$0x19710];
	v39 =	vcvt.s32.f32 v22;
	v24 =	vsel vm5, v5, v24;
	v5 =	vmovc v13;
	s4 =	smov.u32 s30  }
0xe0: {  	v33 =	vadd.f32 v35, v33;
	v30 =	vsel vm6, v8, v30;
	v8 =	vmovc v27;
	v40 =	vld [tilespmem:s9+$0x19750];
	s30 =	sor.u32 $0x60, s10;
	s10 =	sor.u32 $0x70, s10;
	v13 =	vmul.f32 $2.499949950e+02, v38;
	[tilespmem:s25+$0x1B730] =	vst v24  }
0xe1: {  	v18 =	vsub.f32 v18, v34;
	v27 =	vld.idx.msk [tilespmem:v20+s7+$0x0], $0xffff;
	v24 =	vsub.f32 v28, v39;
	v28 =	vtrunc.f32 v31  }
0xe2: {  	v21 =	vsel vm3, v3, v21;
	v39 =	vsel vm2, v6, v33;
	v34 =	vmax.f32 v13, $0.0e+00;
	v35 =	vld.idx.msk [tilespmem:v23+s7+$0x0], $0xffff;
	[tilespmem:s25+$0x1B720] =	vst v30  }
0xe3: {  	v3 =	vmovc v1;
	v38 =	vsel vm0, v0, v16;
	vm0 =	vgt.f32 v4, $1.000000000e+02;
	v0 =	vmovc v4;
	v28 =	vcvt.f32.s32 v28;
	v30 =	vld [tilespmem:s9+$0x19700];
	[tilespmem:s25+$0x1B700] =	vst v39  }
0xe4: {  	v7 =	vsel vm4, v7, v26;
	v33 =	vcvt.s32.f32 v25;
	v6 =	vmovc v9;
	v16 =	vmin.f32 v34, $4.999900000e+04;
	v13 =	vld [tilespmem:s9+$0x19730];
	[tilespmem:s25+$0x1B750] =	vst v38;
	v1 =	vmovc v37  }
0xe5: {  	v38 =	vcvt.s32.f32 v20;
	v26 =	vcvt.s32.f32 v28;
	v37 =	vsel vm1, v2, v14;
	v34 =	vld.idx.msk [tilespmem:v23+s11+$0x0], $0xffff;
	[tilespmem:s25+$0x1B710] =	vst v21;
	v4 =	vmovc v40  }
0xe6: {  	v19 =	vsub.f32 v19, v33;
	v14 =	vtrunc.f32 v16;
	v2 =	vmovc v10;
	v23 =	vcvt.s32.f32 v23;
	v21 =	vld.idx.msk [tilespmem:v22+s11+$0x0], $0xffff;
	[tilespmem:s26+$0x1B700] =	vst v37;
	s26 =	smov.u32 s29;
	s29 =	smov.u32 s10  }
0xe7: {  	v32 =	vmin.f32 v32, $4.999900000e+04;
	v33 =	vcvt.f32.s32 v14;
	v15 =	vsub.f32 v15, v38;
	v20 =	vld.idx.msk [tilespmem:v20+s11+$0x0], $0xffff;
	[tilespmem:s25+$0x1B740] =	vst v7;
	v7 =	vmovc v12;
	s25 =	smov.u32 s28;
	s28 =	smov.u32 s9  }
0xe8: {  	v10 =	vadd.f32 $1.000000000e+02, v4;
	v26 =	vsub.f32 v31, v26;
	v12 =	vtrunc.f32 v32;
	v40 =	vld [tilespmem:s30+$0x19700];
	v9 =	vmovc v30  }
0xe9: {  	vm5 =	vgt.f32 v5, $1.000000000e+02;
	v14 =	vcvt.s32.f32 v33;
	v17 =	vsub.f32 v17, v23;
	v37 =	vld.idx.msk [tilespmem:v25+s7+$0x0], $0xffff  }
0xea: {  	vm3 =	vgt.f32 v3, $1.000000000e+02;
	vm2 =	vgt.f32 v6, $1.000000000e+02;
	v23 =	vcvt.f32.s32 v12;
	v25 =	vld.idx.msk [tilespmem:v25+s11+$0x0], $0xffff  }
0xeb: {  	v30 =	vmul.f32 $2.499949950e+02, v10;
	v39 =	vsub.f32 v16, v14;
	v14 =	vmul.f32 v17, v34;
	v10 =	vld [tilespmem:s29+$0x19700]  }
0xec: {  	vm6 =	vgt.f32 v8, $1.000000000e+02;
	vm1 =	vgt.f32 v2, $1.000000000e+02;
	v16 =	vadd.f32 $1.000000000e+02, v1;
	v12 =	vld [tilespmem:s28+$0x19740]  }
0xed: {  	v18 =	vmul.f32 v18, v29;
	v17 =	vmax.f32 v30, $0.0e+00;
	v24 =	vmul.f32 v24, v21;
	v34 =	vld.idx.msk [tilespmem:v28+s11+$0x0], $0xffff  }
0xee: {  	vm4 =	vgt.f32 v7, $1.000000000e+02;
	v21 =	vadd.f32 $1.000000000e+02, v13;
	v14 =	vadd.f32 v14, v35;
	v41 =	vld.idx.msk [tilespmem:v28+s7+$0x0], $0xffff  }
0xef: {  	vm7 =	vgt.f32 v11, $1.000000000e+02;
	v28 =	vmul.f32 $2.499949950e+02, v16;
	v16 =	vadd.f32 v18, v36;
	v30 =	vld.idx.msk [tilespmem:v33+s7+$0x0], $0xffff  }
0xf0: {  	v18 =	vmin.f32 v17, $4.999900000e+04;
	v19 =	vmul.f32 v19, v25;
	v17 =	vadd.f32 $1.000000000e+02, v10  }
0xf1: {  	v20 =	vmul.f32 v15, v20;
	v25 =	vadd.f32 $1.000000000e+02, v9;
	v29 =	vtrunc.f32 v18  }
0xf2: {  	v31 =	vadd.f32 $1.000000000e+02, v40;
	v15 =	vmax.f32 v28, $0.0e+00;
	v28 =	vmul.f32 $2.499949950e+02, v21  }
0xf3: {  	v21 =	vadd.f32 v20, v27;
	v15 =	vmin.f32 v15, $4.999900000e+04;
	v35 =	vadd.f32 $1.000000000e+02, v12  }
0xf4: {  	v29 =	vcvt.f32.s32 v29;
	v27 =	vmul.f32 $2.499949950e+02, v31;
	v20 =	vmax.f32 v28, $0.0e+00;
	v42 =	vld.idx.msk [tilespmem:v33+s11+$0x0], $0xffff  }
0xf5: {  	v43 =	vadd.f32 v19, v37;
	v26 =	vmul.f32 v26, v34;
	v31 =	vmul.f32 $2.499949950e+02, v35;
	v35 =	vld.idx.msk [tilespmem:v23+s11+$0x0], $0xffff  }
0xf6: {  	v17 =	vmul.f32 $2.499949950e+02, v17;
	v34 =	vcvt.s32.f32 v23;
	v28 =	vmin.f32 v20, $4.999900000e+04;
	v33 =	vld.idx.msk [tilespmem:v23+s7+$0x0], $0xffff  }
0xf7: {  	v19 =	vmax.f32 v27, $0.0e+00;
	v36 =	vtrunc.f32 v28;
	v26 =	vadd.f32 v26, v41;
	v38 =	vld.idx.msk [tilespmem:v22+s7+$0x0], $0xffff  }
.Ltmp6:
0xf8: {  	v20 =	vtrunc.f32 v15;
	v19 =	vmin.f32 v19, $4.999900000e+04;
	v17 =	vmax.f32 v17, $0.0e+00;
	(pc) =	sbr.rel @p0 .LBB2_9-.Ltmp6, $4  }
0xf9: {  	v20 =	vcvt.f32.s32 v20;
	v17 =	vmin.f32 v17, $4.999900000e+04;
	v22 =	vtrunc.f32 v19;
	v27 =	vld [tilespmem:s28+$0x19720]  }
0xfa: {  	v37 =	vsub.f32 v32, v34;
	v23 =	vmul.f32 $2.499949950e+02, v25;
	v39 =	vmul.f32 v39, v42  }
0xfb: {  	v34 =	vcvt.s32.f32 v29;
	v41 =	vtrunc.f32 v17;
	v42 =	vsel vm7, v11, v43;
	v11 =	vmovc v40  }
0xfc: {  	s0 =	sadd.s32 $0x1, s0;
	s2 =	sadd.s32 $0x400, s2;
	s3 =	sadd.s32 $0x20, s3;
	v32 =	vmax.f32 v23, $0.0e+00;
	v25 =	vcvt.f32.s32 v22;
	v23 =	vcvt.f32.s32 v41;
	[tilespmem:s4+$0x1B700] =	vst v42  }
0xfd: {  	_ =	sdelay $0x1  }
0xfe: {  	v36 =	vcvt.f32.s32 v36;
	v24 =	vadd.f32 v24, v38;
	v35 =	vmul.f32 v37, v35  }
0xff: {  	v32 =	vmin.f32 v32, $4.999900000e+04;
	v30 =	vadd.f32 v39, v30;
	v31 =	vmax.f32 v31, $0.0e+00  }
0x100: {  	v38 =	vld.idx.msk [tilespmem:v29+s7+$0x0], $0xffff;
	v18 =	vsub.f32 v18, v34;
	v3 =	vsel vm3, v3, v21;
	v22 =	vadd.f32 $1.000000000e+02, v27  }
0x101: {  	v29 =	vld.idx.msk [tilespmem:v29+s11+$0x0], $0xffff;
	vm8 =	vgt.f32 v4, $1.000000000e+02;
	v0 =	vsel vm0, v0, v16;
	v63 =	vsel vm4, v7, v26  }
0x102: {  	v40 =	vld.idx.msk [tilespmem:v20+s7+$0x0], $0xffff;
	v26 =	vcvt.s32.f32 v20;
	v2 =	vsel vm1, v2, v14;
	v22 =	vmul.f32 $2.499949950e+02, v22  }
0x103: {  	vm9 =	vgt.f32 v13, $1.000000000e+02;
	v55 =	vtrunc.f32 v32;
	v31 =	vmin.f32 v31, $4.999900000e+04;
	v59 =	vld.idx.msk [tilespmem:v25+s7+$0x0], $0xffff  }
0x104: {  	v61 =	vcvt.s32.f32 v25;
	v62 =	vld.idx.msk [tilespmem:v25+s11+$0x0], $0xffff;
	v39 =	vcvt.f32.s32 v55;
	v22 =	vmax.f32 v22, $0.0e+00  }
0x105: {  	v51 =	vld.idx.msk [tilespmem:v23+s11+$0x0], $0xffff;
	v56 =	vcvt.s32.f32 v36;
	v58 =	vtrunc.f32 v31;
	v22 =	vmin.f32 v22, $4.999900000e+04  }
0x106: {  	[tilespmem:s25+$0x1B750] =	vst v0;
	v5 =	vsel vm5, v5, v24;
	v55 =	vld.idx.msk [tilespmem:v23+s7+$0x0], $0xffff;
	v60 =	vcvt.f32.s32 v58;
	v54 =	vtrunc.f32 v22  }
0x107: {  	[tilespmem:s25+$0x1B710] =	vst v3;
	v33 =	vadd.f32 v35, v33;
	v24 =	vsub.f32 v28, v56;
	v28 =	vld.idx.msk [tilespmem:v20+s11+$0x0], $0xffff;
	v37 =	vcvt.f32.s32 v54  }
0x108: {  	vm12 =	vgt.f32 v11, $1.000000000e+02;
	vm13 =	vgt.f32 v1, $1.000000000e+02;
	v44 =	vcvt.s32.f32 v23;
	[tilespmem:s26+$0x1B700] =	vst v2;
	v57 =	vld.idx.msk [tilespmem:v36+s11+$0x0], $0xffff  }
0x109: {  	vm14 =	vgt.f32 v10, $1.000000000e+02;
	[tilespmem:s25+$0x1B740] =	vst v63;
	v42 =	vsub.f32 v19, v61;
	v6 =	vsel vm2, v6, v33;
	v46 =	vld.idx.msk [tilespmem:v36+s7+$0x0], $0xffff  }
0x10a: {  	v8 =	vsel vm6, v8, v30;
	v49 =	vcvt.s32.f32 v39;
	[tilespmem:s25+$0x1B700] =	vst v6;
	v6 =	vsub.f32 v17, v44;
	v43 =	vld.idx.msk [tilespmem:v39+s11+$0x0], $0xffff  }
0x10b: {  	v7 =	vsub.f32 v15, v26;
	v18 =	vmul.f32 v18, v29;
	v14 =	vmul.f32 v42, v62;
	v50 =	vld.idx.msk [tilespmem:v39+s7+$0x0], $0xffff  }
0x10c: {  	[tilespmem:s25+$0x1B730] =	vst v5;
	v41 =	vcvt.s32.f32 v60;
	v53 =	vsub.f32 v32, v49;
	v6 =	vmul.f32 v6, v51;
	v54 =	vld.idx.msk [tilespmem:v60+s11+$0x0], $0xffff  }
0x10d: {  	v58 =	vadd.f32 v18, v38;
	v14 =	vadd.f32 v14, v59;
	v7 =	vmul.f32 v7, v28;
	v35 =	vld.idx.msk [tilespmem:v37+s11+$0x0], $0xffff  }
0x10e: {  	[tilespmem:s25+$0x1B720] =	vst v8;
	v47 =	vsub.f32 v31, v41;
	v45 =	vcvt.s32.f32 v37;
	v52 =	vmul.f32 v24, v57;
	v57 =	vld.idx.msk [tilespmem:v60+s7+$0x0], $0xffff  }
0x10f: {  	v61 =	vadd.f32 v6, v55;
	v62 =	vsel vm8, v4, v58;
	v11 =	vsel vm12, v11, v14;
	v48 =	vld.idx.msk [tilespmem:v37+s7+$0x0], $0xffff  }
0x110: {  	[tilespmem:s28+$0x1B750] =	vst v62;
	v59 =	vadd.f32 v7, v40;
	v15 =	vsub.f32 v22, v45;
	v56 =	vmul.f32 v53, v43  }
0x111: {  	[tilespmem:s30+$0x1B700] =	vst v11;
	v63 =	vsel vm14, v10, v61;
	v3 =	vadd.f32 v52, v46;
	v0 =	vmul.f32 v47, v54  }
0x112: {  	[tilespmem:s29+$0x1B700] =	vst v63;
	v1 =	vsel vm13, v1, v59;
	v5 =	vadd.f32 v56, v50;
	v15 =	vmul.f32 v15, v35  }
0x113: {  	vm10 =	vgt.f32 v9, $1.000000000e+02;
	p0 =	seq.s32 s22, $0x7F;
	[tilespmem:s28+$0x1B710] =	vst v1;
	v3 =	vsel vm9, v13, v3;
	v0 =	vadd.f32 v0, v57  }
.Ltmp7:
0x114: {  	vm15 =	vgt.f32 v12, $1.000000000e+02;
	[tilespmem:s28+$0x1B730] =	vst v3;
	v60 =	vsel vm10, v9, v5;
	v8 =	vadd.f32 v15, v48;
	(pc) =	sbr.rel @p0 .LBB2_12-.Ltmp7, $4  }
0x115: {  	vm11 =	vgt.f32 v27, $1.000000000e+02;
	[tilespmem:s28+$0x1B700] =	vst v60;
	v0 =	vsel vm15, v12, v0  }
0x116: {  	s0 =	sadd.s32 s24, s5;
	[tilespmem:s28+$0x1B740] =	vst v0;
	v8 =	vsel vm11, v27, v8  }
0x117: {  	s0 =	sadd.s32 $0x200, s0;
	[tilespmem:s28+$0x1B720] =	vst v8  }
0x118: {  	[hbm4b:s0+s7] =	stream.linear.scatter [tilespmem:s19], [sflag:$0x4], $0x1000, $0x38;
	[tilespmem:$0x1C700] =	vst v63  }
0x119: {  	s0 =	sadd.s32 $0x3000, s23  }
0x11a: {  	s2 =	sand.u32 $0x1F8000, s0  }
.Ltmp8:
0x11b: {  	s0 =	sand.u32 $0x7000, s0;
	s2 =	sadd.s32 s2, s6;
	(pc) =	sbr.rel .LBB2_2-.Ltmp8, $4  }
0x11c: {  	s0 =	sor.u32 s0, s2  }
0x11d: {  	s0 =	sshrl.u32 s0, $0x3  }
0x11e: {  	s22 =	sadd.s32 $0x1, s22;
	s0 =	sadd.s32 s1, s0  }
0x11f: {  	[tilespmem:s13], [sflag:$0x2] =	stream.linear.gather [hbm4b:s0+s7], $0x1000, $0x38;
	[tilespmem:$0x1C700] =	vst v63  }
.LBB2_13:
0x120: {  	_ =	sfence.sel $0x180000  }
0x121: {  	[bflag:$0x0] =	sbarrier.arrive $0xFFFF  }
0x122: {  	_ =	strace $0x90000047  }
0x123: {  	s0 =	stileid.u32;
	[bflag:$0x2] =	sbarrier.arrive $0xFFFF  }
0x124: {  	p0 =	sne.s32 s0, $0x0;
	s0 =	rddreg [dreg:$0x4]  }
0x125: {  	s0 =	sadd.s32 @!p0 $0x100000, s0  }
0x126: {  	[sflag:s0] =	ssyncadd.tile.s32 @!p0 $0x1;
	_ =	shalt  }
.Lfunc_end2:
_tile_overlayer_lowered:
.L_overlay_start_2:
0x127: {  	(tag) =	ssettag $0x2  }
0x128: {  	s0 =	rddreg [dreg:$0x0];
	s2 =	stileid.u32  }
0x129: {  	s1 =	rddreg [dreg:$0x1];
	p0 =	sne.s32 s2, $0x0  }
0x12a: {  	s3 =	rddreg [dreg:$0x2];
	[bflag:$0x3] =	sbarrier.arrive $0xFFFF;
	s2 =	simm.s32 @!p0 $0x1C06  }
0x12b: {  	[timem:s3], [sflag:s2] =	dma.local @!p0 [hbm:s0], s1  }
0x12c: {  	s0 =	simm.s32 @!p0 $0x6  }
0x12d: {  	_ =	swait.ge @!p0 [sflag:s0], s1  }
0x12e: {  	s1 =	ssub.s32 @!p0 $0x0, s1;
	[sflag:s0] =	ssyncset.done @!p0 $0x0  }
0x12f: {  	[sflag:s0] =	ssyncadd.s32 @!p0 s1  }
0x130: {  	[bflag:$0x3] =	sbarrier.arrive $0xFFFF  }
0x131: {  	_ =	shalt  }

</sc_bundles>
